<compile_context>
chip_gen: v7x
topology: tpu7x:2x2x1
jax: 0.10.2.dev20260603
libtpu: 0.0.44.dev20260713+nightly
codegen_flags: <defaults>
</compile_context>

<pallas_src>
import functools

import jax
import jax.numpy as jnp
from jax.experimental import pallas as pl
from jax.experimental.pallas import tpu as pltpu
from jax.experimental.pallas import tpu_sc as plsc

B, L, D = 4, 2048, 1024
KD, VD, S, H, TOPK = 64, 256, 100000, 256, 8

SC_CHUNK = 8192
NSC = (S + SC_CHUNK - 1) // SC_CHUNK
S_PAD = NSC * SC_CHUNK
SROWS = S_PAD // 128
LT = 256
NLT = L // LT
LTQ = 512
NLTQ = L // LTQ


def _qs_body(x_ref, wk_ref, bk_ref, keys_ref, s_ref, acc_ref, q_ref):
    j = pl.program_id(0)

    @pl.when(j < NLTQ)
    def _():
        part = jnp.sum(x_ref[...], axis=1)

        @pl.when(j == 0)
        def _():
            acc_ref[...] = part

        @pl.when(j > 0)
        def _():
            acc_ref[...] = acc_ref[...] + part

        @pl.when(j == NLTQ - 1)
        def _():
            xbar = acc_ref[...] * (1.0 / L)
            q_ref[0:B] = (
                jnp.dot(xbar, wk_ref[...], preferred_element_type=jnp.float32)
                + bk_ref[...]
            )

    @pl.when(j >= NLTQ)
    def _():
        c = j - NLTQ
        s = jax.lax.dot_general(
            q_ref[0:B], keys_ref[...], (((1,), (1,)), ((), ())),
            preferred_element_type=jnp.float32,
        )
        col = c * SC_CHUNK + jax.lax.broadcasted_iota(
            jnp.int32, (B, SC_CHUNK), 1)
        s_ref[...] = jnp.where(col < S, s, -1e30)


def _qs_call(x, W_key, b_key2d, cube_keys):
    return pl.pallas_call(
        _qs_body,
        grid=(NLTQ + NSC,),
        in_specs=[
            pl.BlockSpec((B, LTQ, D), lambda j: (0, jnp.minimum(j, NLTQ - 1), 0)),
            pl.BlockSpec((D, KD), lambda j: (0, 0)),
            pl.BlockSpec((1, KD), lambda j: (0, 0)),
            pl.BlockSpec((SC_CHUNK, KD),
                         lambda j: (jnp.maximum(j - NLTQ, 0), 0)),
        ],
        out_specs=pl.BlockSpec((B, SC_CHUNK),
                               lambda j: (0, jnp.maximum(j - NLTQ, 0))),
        out_shape=jax.ShapeDtypeStruct((B, S_PAD), jnp.float32),
        scratch_shapes=[
            pltpu.VMEM((B, D), jnp.float32),
            pltpu.VMEM((8, KD), jnp.float32),
        ],
    )(x, W_key, b_key2d, cube_keys)


def _topk_body(s_ref, tv_ref, ti_ref):
    s = s_ref[0]
    idx = (
        jax.lax.broadcasted_iota(jnp.int32, (SROWS, 128), 0) * 128
        + jax.lax.broadcasted_iota(jnp.int32, (SROWS, 128), 1)
    )
    lane = jax.lax.broadcasted_iota(jnp.int32, (1, 1, 128), 2)
    tv = jnp.zeros((1, 1, 128), jnp.float32)
    ti = jnp.zeros((1, 1, 128), jnp.int32)
    for k in range(TOPK):
        m = jnp.max(s)
        cand = jnp.where(s == m, idx, jnp.int32(2**31 - 1))
        fi = jnp.min(cand)
        tv = jnp.where(lane == k, m, tv)
        ti = jnp.where(lane == k, fi, ti)
        s = jnp.where(idx == fi, -3e38, s)
    tv_ref[...] = tv
    ti_ref[...] = ti


def _topk_call(sims3d):
    return pl.pallas_call(
        _topk_body,
        grid=(B,),
        in_specs=[pl.BlockSpec((1, SROWS, 128), lambda b: (b, 0, 0))],
        out_specs=[
            pl.BlockSpec((1, 1, 128), lambda b: (b, 0, 0)),
            pl.BlockSpec((1, 1, 128), lambda b: (b, 0, 0)),
        ],
        out_shape=[
            jax.ShapeDtypeStruct((B, 1, 128), jnp.float32),
            jax.ShapeDtypeStruct((B, 1, 128), jnp.int32),
        ],
    )(sims3d)




def _sc_tail_body(tv_hbm, ti_hbm, vals_hbm, out_mem, out_w,
                  tvv, idxv, rows_v, w_v, mem_v, sem):
    cid = jax.lax.axis_index("c")
    sid = jax.lax.axis_index("s")
    wid = cid * 16 + sid
    lane = jax.lax.iota(jnp.int32, 16)

    @pl.when(wid < B)
    def _():
        row = wid
        pltpu.sync_copy(tv_hbm.at[row, 0, pl.ds(0, 16)], tvv)
        pltpu.sync_copy(ti_hbm.at[row, 0, pl.ds(0, 16)], idxv)
        tv = tvv[...]
        m0 = tv[0]
        e = jnp.where(lane < TOPK, jnp.exp(tv - m0), 0.0)
        ssum = e[0] + e[1] + e[2] + e[3] + e[4] + e[5] + e[6] + e[7]
        wv = e / ssum
        w_v[...] = wv
        pltpu.sync_copy(w_v, out_w.at[row])
        pltpu.async_copy(vals_hbm.at[idxv], rows_v, sem).wait()
        ws = [wv[jj] for jj in range(TOPK)]
        for cc in range(VD // 16):
            a = ws[0] * rows_v[0, pl.ds(cc * 16, 16)]
            for jj in range(1, TOPK):
                a = a + ws[jj] * rows_v[jj, pl.ds(cc * 16, 16)]
            mem_v[pl.ds(cc * 16, 16)] = a
        pltpu.sync_copy(mem_v, out_mem.at[row])


def _sc_tail(topv16, topi16, cube_values):
    f = pl.kernel(
        _sc_tail_body,
        mesh=plsc.VectorSubcoreMesh(core_axis_name="c", subcore_axis_name="s"),
        out_type=[
            jax.ShapeDtypeStruct((B, VD), jnp.float32),
            jax.ShapeDtypeStruct((B, 16), jnp.float32),
        ],
        scratch_types=[
            pltpu.VMEM((16,), jnp.float32),
            pltpu.VMEM((16,), jnp.int32),
            pltpu.VMEM((16, VD), jnp.float32),
            pltpu.VMEM((16,), jnp.float32),
            pltpu.VMEM((VD,), jnp.float32),
            pltpu.SemaphoreType.DMA,
        ],
    )
    return f(topv16, topi16, cube_values)


def _fused_body(x_ref, wg1_ref, bg1_ref, wrow_ref, conf_ref, mv_ref,
                wmem_ref, bmem_ref, wg2_ref, bg2_ref, lng_ref, lnb_ref,
                out_ref, mem_ref):
    b = pl.program_id(0)
    j = pl.program_id(1)

    @pl.when(jnp.logical_and(b == 0, j == 0))
    def _():
        mem_ref[0:B] = (
            jnp.dot(mv_ref[...], wmem_ref[...],
                    preferred_element_type=jnp.float32)
            + bmem_ref[...]
        )

    xt = x_ref[0]
    t = jnp.dot(xt.astype(jnp.bfloat16), wg1_ref[...],
                preferred_element_type=jnp.float32)
    tb = t + bg1_ref[...] + conf_ref[0, 0] * wrow_ref[...]
    h = 0.5 * tb * (1.0 + jax.lax.erf(tb * 0.7071067811865476))
    sv = jnp.dot(h, wg2_ref[...], preferred_element_type=jnp.float32)
    alpha = jax.nn.sigmoid(sv[:, 0:1] + bg2_ref[0, 0])
    y = xt + (1.0 - alpha) * mem_ref[pl.ds(b, 1)]
    mu = jnp.mean(y, axis=1, keepdims=True)
    var = jnp.mean((y - mu) ** 2, axis=1, keepdims=True)
    out_ref[0] = (y - mu) * jax.lax.rsqrt(var + 1e-5) * lng_ref[...] + lnb_ref[...]


def _fused_call(x, wg1a, bg1, wrow, conf2d, mem_val, W_mem, bmem2d,
                wg2p, bg2v, lng, lnb):
    zero2 = lambda b, j: (0, 0)
    return pl.pallas_call(
        _fused_body,
        grid=(B, NLT),
        in_specs=[
            pl.BlockSpec((1, LT, D), lambda b, j: (b, j, 0)),
            pl.BlockSpec((D, H), zero2),
            pl.BlockSpec((1, H), zero2),
            pl.BlockSpec((1, H), zero2),
            pl.BlockSpec((1, 1), zero2),
            pl.BlockSpec((B, VD), zero2),
            pl.BlockSpec((VD, D), zero2),
            pl.BlockSpec((1, D), zero2),
            pl.BlockSpec((H, 128), zero2),
            pl.BlockSpec((1, 1), zero2),
            pl.BlockSpec((1, D), zero2),
            pl.BlockSpec((1, D), zero2),
        ],
        out_specs=pl.BlockSpec((1, LT, D), lambda b, j: (b, j, 0)),
        out_shape=jax.ShapeDtypeStruct((B, L, D), jnp.float32),
        scratch_shapes=[pltpu.VMEM((8, D), jnp.float32)],
    )(x, wg1a, bg1, wrow, conf2d, mem_val, W_mem, bmem2d, wg2p, bg2v,
      lng, lnb)


def kernel(x, W_key, b_key, cube_keys, cube_values, W_mem, b_mem,
           Wg1, bg1, Wg2, bg2, ln_g, ln_b):
    sims = _qs_call(x, W_key, b_key.reshape(1, KD), cube_keys)
    tv, ti = _topk_call(sims.reshape(B, SROWS, 128))
    mem_val, wfull = _sc_tail(tv, ti, cube_values)
    conf = jnp.mean(jnp.max(wfull, axis=-1))
    return _fused_call(
        x, Wg1[:D].astype(jnp.bfloat16), bg1.reshape(1, H),
        Wg1[D].reshape(1, H), conf.reshape(1, 1), mem_val, W_mem,
        b_mem.reshape(1, D), jnp.pad(Wg2, ((0, 0), (0, 127))),
        bg2.reshape(1, 1), ln_g.reshape(1, D), ln_b.reshape(1, D))

# --- scband reference (transcript-rebuilt; emitter-appended) ---
"""Pipeline reference for scband-cube-gated-block-15487652069432 (READ-ONLY COPY).

The authoritative reference and input builder live on the scoring server;
editing this copy changes nothing except your own understanding.
"""

import jax, jax.numpy as jnp
import numpy as np

B, L, D = 4, 2048, 1024
KD, VD, S, H, TOPK = 64, 256, 100000, 256, 8

def setup_inputs(seed: int = 0) -> dict:
    key = jax.random.key(seed)
    ks = jax.random.split(key, 8)
    return {
        "x": jax.random.normal(ks[0], (B, L, D), dtype=jnp.float32),
        "W_key": jax.random.normal(ks[1], (D, KD), dtype=jnp.float32) * 0.02,
        "b_key": jnp.zeros((KD,), dtype=jnp.float32),
        "cube_keys": jax.random.normal(ks[2], (S, KD), dtype=jnp.float32),
        "cube_values": jax.random.normal(ks[3], (S, VD), dtype=jnp.float32),
        "W_mem": jax.random.normal(ks[4], (VD, D), dtype=jnp.float32) * 0.02,
        "b_mem": jnp.zeros((D,), dtype=jnp.float32),
        "Wg1": jax.random.normal(ks[5], (D + 1, H), dtype=jnp.float32) * 0.02,
        "bg1": jnp.zeros((H,), dtype=jnp.float32),
        "Wg2": jax.random.normal(ks[6], (H, 1), dtype=jnp.float32) * 0.02,
        "bg2": jnp.zeros((1,), dtype=jnp.float32),
        "ln_g": jnp.ones((D,), dtype=jnp.float32),
        "ln_b": jnp.zeros((D,), dtype=jnp.float32),
    }

def reference(x, W_key, b_key, cube_keys, cube_values, W_mem, b_mem, Wg1, bg1, Wg2, bg2, ln_g, ln_b):
    b, l, d = x.shape
    # learned key: mean-pooled projection
    q = jnp.mean(x @ W_key + b_key, axis=1)  # [B, KD]
    # memory cube top-k retrieval
    sims = q @ cube_keys.T  # [B, S]
    topv, topi = jax.lax.top_k(sims, TOPK)  # [B, K]
    w = jax.nn.softmax(topv, axis=-1)  # [B, K]
    gathered = jnp.take(cube_values, topi, axis=0)  # [B, K, VD]
    mem_val = jnp.sum(w[..., None] * gathered, axis=1)  # [B, VD]
    # confidence = mean concentration of retrieval weights (detached scalar in torch)
    conf = jax.lax.stop_gradient(jnp.mean(jnp.max(w, axis=-1)))
    mem = (mem_val @ W_mem + b_mem)[:, None, :]
    mem = jnp.broadcast_to(mem, (b, l, d))
    conf_feat = jnp.broadcast_to(conf, (b, l, 1)).astype(x.dtype)
    gi = jnp.concatenate([x, conf_feat], axis=-1)  # [B, L, D+1]
    h = jax.nn.gelu(gi @ Wg1 + bg1, approximate=False)
    alpha = jax.nn.sigmoid(h @ Wg2 + bg2)  # [B, L, 1]
    y = alpha * x + (1.0 - alpha) * (x + mem)
    mu = jnp.mean(y, axis=-1, keepdims=True)
    var = jnp.var(y, axis=-1, keepdims=True)
    out = (y - mu) / jnp.sqrt(var + 1e-5) * ln_g + ln_b
    return out

if __name__ == "__main__":
    import jax
    _d = setup_inputs()
    print(jax.jit(kernel)(*tuple(_d.values())))

</pallas_src>

<mosaic_0001>
#map = affine_map<(d0, d1) -> (0, 0, 0)>
#map1 = affine_map<(d0, d1) -> (0, 0)>
module attributes {stable_mosaic.version = 14 : i64} {
  func.func @_sc_tail_body(%arg0: i32, %arg1: i32, %arg2: memref<4x1x128xf32, #tpu.memory_space<hbm>>, %arg3: memref<4x1x128xi32, #tpu.memory_space<hbm>>, %arg4: memref<100000x256xf32, #tpu.memory_space<hbm>>, %arg5: memref<4x256xf32, #tpu.memory_space<hbm>>, %arg6: memref<4x16xf32, #tpu.memory_space<hbm>>, %arg7: memref<16xf32, #tpu.memory_space<vmem>>, %arg8: memref<16xi32, #tpu.memory_space<vmem>>, %arg9: memref<16x256xf32, #tpu.memory_space<vmem>>, %arg10: memref<16xf32, #tpu.memory_space<vmem>>, %arg11: memref<256xf32, #tpu.memory_space<vmem>>, %arg12: memref<!tpu.dma_semaphore, #tpu.memory_space<semaphore_mem>>) attributes {dimension_semantics = [#tpu.dimension_semantics<core_parallel>, #tpu.dimension_semantics<subcore_parallel>], iteration_bounds = array<i64: 2, 16>, scalar_prefetch = 0 : i64, scratch_operands = 6 : i64, tpu.core_type = #tpu.core_type<sc_vector_subcore>, window_params = [{transform_indices = #map}, {transform_indices = #map}, {transform_indices = #map1}, {transform_indices = #map1}, {transform_indices = #map1}]} {
    %mul3A = arith.constant 16 : i32
    %mul3A_0 = arith.muli %arg0, %mul3A : i32
    %add3A = arith.addi %mul3A_0, %arg1 : i32
    %iota3A = tpu.iota {dimensions = array<i32: 0>} : vector<16xi32>
    %lt3A = arith.constant 4 : i32
    %lt3A_1 = arith.cmpi slt, %add3A, %lt3A : i32
    %convert_element_type3A = arith.extui %lt3A_1 : i1 to i32
    %cond3A = arith.constant 0 : i32
    %cond3A_2 = arith.cmpi ne, %convert_element_type3A, %cond3A : i32
    scf.if %cond3A_2 {
      %run_scoped3A = arith.constant 0 : i32
      "tpu.region"() ({
        %run_scoped3A_1129 = tpu.sem_alloc : memref<!tpu.dma_semaphore, #tpu.memory_space<semaphore_mem>>
        %dma_start3A_1130 = arith.constant 0 : i32
        %dma_start3A_1131 = tpu.memref_slice %arg2[%add3A, %run_scoped3A, %dma_start3A_1130] : memref<4x1x128xf32, #tpu.memory_space<hbm>> -> memref<1x1x16xf32, #tpu.memory_space<hbm>>
        %dma_start3A_1132 = tpu.memref_squeeze %dma_start3A_1131 : memref<1x1x16xf32, #tpu.memory_space<hbm>> -> memref<16xf32, #tpu.memory_space<hbm>>
        %dma_start3A_1133 = arith.constant 0 : i32
        %dma_start3A_1134 = tpu.memref_slice %arg2[%add3A, %run_scoped3A, %dma_start3A_1133] : memref<4x1x128xf32, #tpu.memory_space<hbm>> -> memref<1x1x16xf32, #tpu.memory_space<hbm>>
        %dma_start3A_1135 = tpu.memref_squeeze %dma_start3A_1134 : memref<1x1x16xf32, #tpu.memory_space<hbm>> -> memref<16xf32, #tpu.memory_space<hbm>>
        tpu.enqueue_dma source(%dma_start3A_1135 : memref<16xf32, #tpu.memory_space<hbm>>) target(%arg7 : memref<16xf32, #tpu.memory_space<vmem>>) target_semaphore(%run_scoped3A_1129 : memref<!tpu.dma_semaphore, #tpu.memory_space<semaphore_mem>>)
        %dma_wait3A_1136 = arith.constant 0 : i32
        %dma_wait3A_1137 = tpu.memref_slice %arg2[%add3A, %run_scoped3A, %dma_wait3A_1136] : memref<4x1x128xf32, #tpu.memory_space<hbm>> -> memref<1x1x16xf32, #tpu.memory_space<hbm>>
        %dma_wait3A_1138 = tpu.memref_squeeze %dma_wait3A_1137 : memref<1x1x16xf32, #tpu.memory_space<hbm>> -> memref<16xf32, #tpu.memory_space<hbm>>
        %dma_wait3A_1139 = arith.constant 0 : i32
        %dma_wait3A_1140 = tpu.memref_slice %arg2[%add3A, %run_scoped3A, %dma_wait3A_1139] : memref<4x1x128xf32, #tpu.memory_space<hbm>> -> memref<1x1x16xf32, #tpu.memory_space<hbm>>
        %dma_wait3A_1141 = tpu.memref_squeeze %dma_wait3A_1140 : memref<1x1x16xf32, #tpu.memory_space<hbm>> -> memref<16xf32, #tpu.memory_space<hbm>>
        tpu.wait_dma2 semaphore(%run_scoped3A_1129 : memref<!tpu.dma_semaphore, #tpu.memory_space<semaphore_mem>>) src(%dma_wait3A_1141 : memref<16xf32, #tpu.memory_space<hbm>>) dst(%arg7 : memref<16xf32, #tpu.memory_space<vmem>>)
        tpu.yield
      }) : () -> ()
      %run_scoped3A_3 = arith.constant 0 : i32
      "tpu.region"() ({
        %run_scoped3A_1129 = tpu.sem_alloc : memref<!tpu.dma_semaphore, #tpu.memory_space<semaphore_mem>>
        %dma_start3A_1130 = arith.constant 0 : i32
        %dma_start3A_1131 = tpu.memref_slice %arg3[%add3A, %run_scoped3A_3, %dma_start3A_1130] : memref<4x1x128xi32, #tpu.memory_space<hbm>> -> memref<1x1x16xi32, #tpu.memory_space<hbm>>
        %dma_start3A_1132 = tpu.memref_squeeze %dma_start3A_1131 : memref<1x1x16xi32, #tpu.memory_space<hbm>> -> memref<16xi32, #tpu.memory_space<hbm>>
        %dma_start3A_1133 = arith.constant 0 : i32
        %dma_start3A_1134 = tpu.memref_slice %arg3[%add3A, %run_scoped3A_3, %dma_start3A_1133] : memref<4x1x128xi32, #tpu.memory_space<hbm>> -> memref<1x1x16xi32, #tpu.memory_space<hbm>>
        %dma_start3A_1135 = tpu.memref_squeeze %dma_start3A_1134 : memref<1x1x16xi32, #tpu.memory_space<hbm>> -> memref<16xi32, #tpu.memory_space<hbm>>
        tpu.enqueue_dma source(%dma_start3A_1135 : memref<16xi32, #tpu.memory_space<hbm>>) target(%arg8 : memref<16xi32, #tpu.memory_space<vmem>>) target_semaphore(%run_scoped3A_1129 : memref<!tpu.dma_semaphore, #tpu.memory_space<semaphore_mem>>)
        %dma_wait3A_1136 = arith.constant 0 : i32
        %dma_wait3A_1137 = tpu.memref_slice %arg3[%add3A, %run_scoped3A_3, %dma_wait3A_1136] : memref<4x1x128xi32, #tpu.memory_space<hbm>> -> memref<1x1x16xi32, #tpu.memory_space<hbm>>
        %dma_wait3A_1138 = tpu.memref_squeeze %dma_wait3A_1137 : memref<1x1x16xi32, #tpu.memory_space<hbm>> -> memref<16xi32, #tpu.memory_space<hbm>>
        %dma_wait3A_1139 = arith.constant 0 : i32
        %dma_wait3A_1140 = tpu.memref_slice %arg3[%add3A, %run_scoped3A_3, %dma_wait3A_1139] : memref<4x1x128xi32, #tpu.memory_space<hbm>> -> memref<1x1x16xi32, #tpu.memory_space<hbm>>
        %dma_wait3A_1141 = tpu.memref_squeeze %dma_wait3A_1140 : memref<1x1x16xi32, #tpu.memory_space<hbm>> -> memref<16xi32, #tpu.memory_space<hbm>>
        tpu.wait_dma2 semaphore(%run_scoped3A_1129 : memref<!tpu.dma_semaphore, #tpu.memory_space<semaphore_mem>>) src(%dma_wait3A_1141 : memref<16xi32, #tpu.memory_space<hbm>>) dst(%arg8 : memref<16xi32, #tpu.memory_space<vmem>>)
        tpu.yield
      }) : () -> ()
      %get3A = arith.constant 0 : index
      %get3A_4 = tpu.vector_load %arg7[%get3A] {strides = array<i32>} : memref<16xf32, #tpu.memory_space<vmem>>, vector<16xf32>,
      %get3A_5 = vector.shape_cast %get3A_4 : vector<16xf32> to vector<16xf32>
      %slice3A = vector.extract_strided_slice %get3A_5 {offsets = [0], sizes = [1], strides = [1]} : vector<16xf32> to vector<1xf32>
      %squeeze3A = vector.extract %slice3A[0] : f32 from vector<1xf32>
      %lt3A_6 = arith.constant 8 : i32
      %lt3A_7 = vector.broadcast %lt3A_6 : i32 to vector<16xi32>
      %lt3A_8 = arith.cmpi slt, %iota3A, %lt3A_7 : vector<16xi32>
      %sub3A = vector.broadcast %squeeze3A : f32 to vector<16xf32>
      %sub3A_9 = arith.subf %get3A_5, %sub3A : vector<16xf32>
      %exp3A = math.exp %sub3A_9 : vector<16xf32>
      %jit3A = arith.constant 0.000000e+00 : f32
      %broadcast_in_dim3A = vector.broadcast %jit3A : f32 to vector<16xf32>
      %select_n3A = arith.select %lt3A_8, %exp3A, %broadcast_in_dim3A : vector<16xi1>, vector<16xf32>
      %slice3A_10 = vector.extract_strided_slice %select_n3A {offsets = [0], sizes = [1], strides = [1]} : vector<16xf32> to vector<1xf32>
      %squeeze3A_11 = vector.extract %slice3A_10[0] : f32 from vector<1xf32>
      %slice3A_12 = vector.extract_strided_slice %select_n3A {offsets = [1], sizes = [1], strides = [1]} : vector<16xf32> to vector<1xf32>
      %squeeze3A_13 = vector.extract %slice3A_12[0] : f32 from vector<1xf32>
      %add3A_14 = arith.addf %squeeze3A_11, %squeeze3A_13 : f32
      %slice3A_15 = vector.extract_strided_slice %select_n3A {offsets = [2], sizes = [1], strides = [1]} : vector<16xf32> to vector<1xf32>
      %squeeze3A_16 = vector.extract %slice3A_15[0] : f32 from vector<1xf32>
      %add3A_17 = arith.addf %add3A_14, %squeeze3A_16 : f32
      %slice3A_18 = vector.extract_strided_slice %select_n3A {offsets = [3], sizes = [1], strides = [1]} : vector<16xf32> to vector<1xf32>
      %squeeze3A_19 = vector.extract %slice3A_18[0] : f32 from vector<1xf32>
      %add3A_20 = arith.addf %add3A_17, %squeeze3A_19 : f32
      %slice3A_21 = vector.extract_strided_slice %select_n3A {offsets = [4], sizes = [1], strides = [1]} : vector<16xf32> to vector<1xf32>
      %squeeze3A_22 = vector.extract %slice3A_21[0] : f32 from vector<1xf32>
      %add3A_23 = arith.addf %add3A_20, %squeeze3A_22 : f32
      %slice3A_24 = vector.extract_strided_slice %select_n3A {offsets = [5], sizes = [1], strides = [1]} : vector<16xf32> to vector<1xf32>
      %squeeze3A_25 = vector.extract %slice3A_24[0] : f32 from vector<1xf32>
      %add3A_26 = arith.addf %add3A_23, %squeeze3A_25 : f32
      %slice3A_27 = vector.extract_strided_slice %select_n3A {offsets = [6], sizes = [1], strides = [1]} : vector<16xf32> to vector<1xf32>
      %squeeze3A_28 = vector.extract %slice3A_27[0] : f32 from vector<1xf32>
      %add3A_29 = arith.addf %add3A_26, %squeeze3A_28 : f32
      %slice3A_30 = vector.extract_strided_slice %select_n3A {offsets = [7], sizes = [1], strides = [1]} : vector<16xf32> to vector<1xf32>
      %squeeze3A_31 = vector.extract %slice3A_30[0] : f32 from vector<1xf32>
      %add3A_32 = arith.addf %add3A_29, %squeeze3A_31 : f32
      %div3A = vector.broadcast %add3A_32 : f32 to vector<16xf32>
      %div3A_33 = arith.divf %select_n3A, %div3A : vector<16xf32>
      %swap3A = arith.constant 0 : index
      %swap3A_34 = tpu.vector_load %arg10[%swap3A] {strides = array<i32>} : memref<16xf32, #tpu.memory_space<vmem>>, vector<16xf32>,
      %swap3A_35 = vector.shape_cast %swap3A_34 : vector<16xf32> to vector<16xf32>
      %swap3A_36 = vector.shape_cast %div3A_33 : vector<16xf32> to vector<16xf32>
      tpu.vector_store %arg10[%swap3A], %swap3A_36 {strides = array<i32>} : memref<16xf32, #tpu.memory_space<vmem>>, vector<16xf32>,
      "tpu.region"() ({
        %run_scoped3A_1129 = tpu.sem_alloc : memref<!tpu.dma_semaphore, #tpu.memory_space<semaphore_mem>>
        %dma_start3A_1130 = arith.constant 0 : i32
        %dma_start3A_1131 = tpu.memref_slice %arg6[%add3A, %dma_start3A_1130] : memref<4x16xf32, #tpu.memory_space<hbm>> -> memref<1x16xf32, #tpu.memory_space<hbm>>
        %dma_start3A_1132 = tpu.memref_squeeze %dma_start3A_1131 : memref<1x16xf32, #tpu.memory_space<hbm>> -> memref<16xf32, #tpu.memory_space<hbm>>
        %dma_start3A_1133 = arith.constant 0 : i32
        %dma_start3A_1134 = tpu.memref_slice %arg6[%add3A, %dma_start3A_1133] : memref<4x16xf32, #tpu.memory_space<hbm>> -> memref<1x16xf32, #tpu.memory_space<hbm>>
        %dma_start3A_1135 = tpu.memref_squeeze %dma_start3A_1134 : memref<1x16xf32, #tpu.memory_space<hbm>> -> memref<16xf32, #tpu.memory_space<hbm>>
        tpu.enqueue_dma source(%arg10 : memref<16xf32, #tpu.memory_space<vmem>>) target(%dma_start3A_1135 : memref<16xf32, #tpu.memory_space<hbm>>) target_semaphore(%run_scoped3A_1129 : memref<!tpu.dma_semaphore, #tpu.memory_space<semaphore_mem>>)
        %dma_wait3A_1136 = arith.constant 0 : i32
        %dma_wait3A_1137 = tpu.memref_slice %arg6[%add3A, %dma_wait3A_1136] : memref<4x16xf32, #tpu.memory_space<hbm>> -> memref<1x16xf32, #tpu.memory_space<hbm>>
        %dma_wait3A_1138 = tpu.memref_squeeze %dma_wait3A_1137 : memref<1x16xf32, #tpu.memory_space<hbm>> -> memref<16xf32, #tpu.memory_space<hbm>>
        %dma_wait3A_1139 = arith.constant 0 : i32
        %dma_wait3A_1140 = tpu.memref_slice %arg6[%add3A, %dma_wait3A_1139] : memref<4x16xf32, #tpu.memory_space<hbm>> -> memref<1x16xf32, #tpu.memory_space<hbm>>
        %dma_wait3A_1141 = tpu.memref_squeeze %dma_wait3A_1140 : memref<1x16xf32, #tpu.memory_space<hbm>> -> memref<16xf32, #tpu.memory_space<hbm>>
        tpu.wait_dma2 semaphore(%run_scoped3A_1129 : memref<!tpu.dma_semaphore, #tpu.memory_space<semaphore_mem>>) src(%arg10 : memref<16xf32, #tpu.memory_space<vmem>>) dst(%dma_wait3A_1141 : memref<16xf32, #tpu.memory_space<hbm>>)
        tpu.yield
      }) : () -> ()
      %dma_start3A = arith.constant 0 : i32
      %dma_start3A_37 = arith.constant 0 : i32
      %dma_start3A_38 = tpu.memref_slice %arg4[%dma_start3A, %dma_start3A_37] : memref<100000x256xf32, #tpu.memory_space<hbm>> -> memref<100000x256xf32, #tpu.memory_space<hbm>>
      tpu.enqueue_indirect_dma source(%dma_start3A_38 : memref<100000x256xf32, #tpu.memory_space<hbm>>) target(%arg9 : memref<16x256xf32, #tpu.memory_space<vmem>>) offsets(%arg8 : memref<16xi32, #tpu.memory_space<vmem>>) semaphore(%arg12 : memref<!tpu.dma_semaphore, #tpu.memory_space<semaphore_mem>>)
      %dma_wait3A = arith.constant 0 : i32
      %dma_wait3A_39 = arith.constant 0 : i32
      %dma_wait3A_40 = tpu.memref_slice %arg4[%dma_wait3A, %dma_wait3A_39] : memref<100000x256xf32, #tpu.memory_space<hbm>> -> memref<100000x256xf32, #tpu.memory_space<hbm>>
      tpu.wait_indirect_dma semaphore(%arg12 : memref<!tpu.dma_semaphore, #tpu.memory_space<semaphore_mem>>) src(%dma_wait3A_40 : memref<100000x256xf32, #tpu.memory_space<hbm>>) dst(%arg9 : memref<16x256xf32, #tpu.memory_space<vmem>>)
      %slice3A_41 = vector.extract_strided_slice %div3A_33 {offsets = [0], sizes = [1], strides = [1]} : vector<16xf32> to vector<1xf32>
      %squeeze3A_42 = vector.extract %slice3A_41[0] : f32 from vector<1xf32>
      %slice3A_43 = vector.extract_strided_slice %div3A_33 {offsets = [1], sizes = [1], strides = [1]} : vector<16xf32> to vector<1xf32>
      %squeeze3A_44 = vector.extract %slice3A_43[0] : f32 from vector<1xf32>
      %slice3A_45 = vector.extract_strided_slice %div3A_33 {offsets = [2], sizes = [1], strides = [1]} : vector<16xf32> to vector<1xf32>
      %squeeze3A_46 = vector.extract %slice3A_45[0] : f32 from vector<1xf32>
      %slice3A_47 = vector.extract_strided_slice %div3A_33 {offsets = [3], sizes = [1], strides = [1]} : vector<16xf32> to vector<1xf32>
      %squeeze3A_48 = vector.extract %slice3A_47[0] : f32 from vector<1xf32>
      %slice3A_49 = vector.extract_strided_slice %div3A_33 {offsets = [4], sizes = [1], strides = [1]} : vector<16xf32> to vector<1xf32>
      %squeeze3A_50 = vector.extract %slice3A_49[0] : f32 from vector<1xf32>
      %slice3A_51 = vector.extract_strided_slice %div3A_33 {offsets = [5], sizes = [1], strides = [1]} : vector<16xf32> to vector<1xf32>
      %squeeze3A_52 = vector.extract %slice3A_51[0] : f32 from vector<1xf32>
      %slice3A_53 = vector.extract_strided_slice %div3A_33 {offsets = [6], sizes = [1], strides = [1]} : vector<16xf32> to vector<1xf32>
      %squeeze3A_54 = vector.extract %slice3A_53[0] : f32 from vector<1xf32>
      %slice3A_55 = vector.extract_strided_slice %div3A_33 {offsets = [7], sizes = [1], strides = [1]} : vector<16xf32> to vector<1xf32>
      %squeeze3A_56 = vector.extract %slice3A_55[0] : f32 from vector<1xf32>
      %get3A_57 = arith.constant 0 : i32
      %get3A_58 = arith.index_cast %get3A_57 : i32 to index
      %get3A_59 = arith.constant 0 : index
      %get3A_60 = tpu.vector_load %arg9[%get3A_58, %get3A_59] {strides = array<i32>} : memref<16x256xf32, #tpu.memory_space<vmem>>, vector<1x16xf32>,
      %get3A_61 = vector.shape_cast %get3A_60 : vector<1x16xf32> to vector<16xf32>
      %mul3A_62 = vector.broadcast %squeeze3A_42 : f32 to vector<16xf32>
      %mul3A_63 = arith.mulf %mul3A_62, %get3A_61 : vector<16xf32>
      %get3A_64 = arith.constant 1 : i32
      %get3A_65 = arith.index_cast %get3A_64 : i32 to index
      %get3A_66 = arith.constant 0 : index
      %get3A_67 = tpu.vector_load %arg9[%get3A_65, %get3A_66] {strides = array<i32>} : memref<16x256xf32, #tpu.memory_space<vmem>>, vector<1x16xf32>,
      %get3A_68 = vector.shape_cast %get3A_67 : vector<1x16xf32> to vector<16xf32>
      %mul3A_69 = vector.broadcast %squeeze3A_44 : f32 to vector<16xf32>
      %mul3A_70 = arith.mulf %mul3A_69, %get3A_68 : vector<16xf32>
      %add3A_71 = arith.addf %mul3A_63, %mul3A_70 : vector<16xf32>
      %get3A_72 = arith.constant 2 : i32
      %get3A_73 = arith.index_cast %get3A_72 : i32 to index
      %get3A_74 = arith.constant 0 : index
      %get3A_75 = tpu.vector_load %arg9[%get3A_73, %get3A_74] {strides = array<i32>} : memref<16x256xf32, #tpu.memory_space<vmem>>, vector<1x16xf32>,
      %get3A_76 = vector.shape_cast %get3A_75 : vector<1x16xf32> to vector<16xf32>
      %mul3A_77 = vector.broadcast %squeeze3A_46 : f32 to vector<16xf32>
      %mul3A_78 = arith.mulf %mul3A_77, %get3A_76 : vector<16xf32>
      %add3A_79 = arith.addf %add3A_71, %mul3A_78 : vector<16xf32>
      %get3A_80 = arith.constant 3 : i32
      %get3A_81 = arith.index_cast %get3A_80 : i32 to index
      %get3A_82 = arith.constant 0 : index
      %get3A_83 = tpu.vector_load %arg9[%get3A_81, %get3A_82] {strides = array<i32>} : memref<16x256xf32, #tpu.memory_space<vmem>>, vector<1x16xf32>,
      %get3A_84 = vector.shape_cast %get3A_83 : vector<1x16xf32> to vector<16xf32>
      %mul3A_85 = vector.broadcast %squeeze3A_48 : f32 to vector<16xf32>
      %mul3A_86 = arith.mulf %mul3A_85, %get3A_84 : vector<16xf32>
      %add3A_87 = arith.addf %add3A_79, %mul3A_86 : vector<16xf32>
      %get3A_88 = arith.constant 4 : i32
      %get3A_89 = arith.index_cast %get3A_88 : i32 to index
      %get3A_90 = arith.constant 0 : index
      %get3A_91 = tpu.vector_load %arg9[%get3A_89, %get3A_90] {strides = array<i32>} : memref<16x256xf32, #tpu.memory_space<vmem>>, vector<1x16xf32>,
      %get3A_92 = vector.shape_cast %get3A_91 : vector<1x16xf32> to vector<16xf32>
      %mul3A_93 = vector.broadcast %squeeze3A_50 : f32 to vector<16xf32>
      %mul3A_94 = arith.mulf %mul3A_93, %get3A_92 : vector<16xf32>
      %add3A_95 = arith.addf %add3A_87, %mul3A_94 : vector<16xf32>
      %get3A_96 = arith.constant 5 : i32
      %get3A_97 = arith.index_cast %get3A_96 : i32 to index
      %get3A_98 = arith.constant 0 : index
      %get3A_99 = tpu.vector_load %arg9[%get3A_97, %get3A_98] {strides = array<i32>} : memref<16x256xf32, #tpu.memory_space<vmem>>, vector<1x16xf32>,
      %get3A_100 = vector.shape_cast %get3A_99 : vector<1x16xf32> to vector<16xf32>
      %mul3A_101 = vector.broadcast %squeeze3A_52 : f32 to vector<16xf32>
      %mul3A_102 = arith.mulf %mul3A_101, %get3A_100 : vector<16xf32>
      %add3A_103 = arith.addf %add3A_95, %mul3A_102 : vector<16xf32>
      %get3A_104 = arith.constant 6 : i32
      %get3A_105 = arith.index_cast %get3A_104 : i32 to index
      %get3A_106 = arith.constant 0 : index
      %get3A_107 = tpu.vector_load %arg9[%get3A_105, %get3A_106] {strides = array<i32>} : memref<16x256xf32, #tpu.memory_space<vmem>>, vector<1x16xf32>,
      %get3A_108 = vector.shape_cast %get3A_107 : vector<1x16xf32> to vector<16xf32>
      %mul3A_109 = vector.broadcast %squeeze3A_54 : f32 to vector<16xf32>
      %mul3A_110 = arith.mulf %mul3A_109, %get3A_108 : vector<16xf32>
      %add3A_111 = arith.addf %add3A_103, %mul3A_110 : vector<16xf32>
      %get3A_112 = arith.constant 7 : i32
      %get3A_113 = arith.index_cast %get3A_112 : i32 to index
      %get3A_114 = arith.constant 0 : index
      %get3A_115 = tpu.vector_load %arg9[%get3A_113, %get3A_114] {strides = array<i32>} : memref<16x256xf32, #tpu.memory_space<vmem>>, vector<1x16xf32>,
      %get3A_116 = vector.shape_cast %get3A_115 : vector<1x16xf32> to vector<16xf32>
      %mul3A_117 = vector.broadcast %squeeze3A_56 : f32 to vector<16xf32>
      %mul3A_118 = arith.mulf %mul3A_117, %get3A_116 : vector<16xf32>
      %add3A_119 = arith.addf %add3A_111, %mul3A_118 : vector<16xf32>
      %swap3A_120 = arith.constant 0 : index
      %swap3A_121 = tpu.vector_load %arg11[%swap3A_120] {strides = array<i32>} : memref<256xf32, #tpu.memory_space<vmem>>, vector<16xf32>,
      %swap3A_122 = vector.shape_cast %swap3A_121 : vector<16xf32> to vector<16xf32>
      %swap3A_123 = vector.shape_cast %add3A_119 : vector<16xf32> to vector<16xf32>
      tpu.vector_store %arg11[%swap3A_120], %swap3A_123 {strides = array<i32>} : memref<256xf32, #tpu.memory_space<vmem>>, vector<16xf32>,
      %get3A_124 = arith.constant 0 : i32
      %get3A_125 = arith.index_cast %get3A_124 : i32 to index
      %get3A_126 = arith.constant 16 : index
      %get3A_127 = tpu.vector_load %arg9[%get3A_125, %get3A_126] {strides = array<i32>} : memref<16x256xf32, #tpu.memory_space<vmem>>, vector<1x16xf32>,
      %get3A_128 = vector.shape_cast %get3A_127 : vector<1x16xf32> to vector<16xf32>
      %mul3A_129 = vector.broadcast %squeeze3A_42 : f32 to vector<16xf32>
      %mul3A_130 = arith.mulf %mul3A_129, %get3A_128 : vector<16xf32>
      %get3A_131 = arith.constant 1 : i32
      %get3A_132 = arith.index_cast %get3A_131 : i32 to index
      %get3A_133 = arith.constant 16 : index
      %get3A_134 = tpu.vector_load %arg9[%get3A_132, %get3A_133] {strides = array<i32>} : memref<16x256xf32, #tpu.memory_space<vmem>>, vector<1x16xf32>,
      %get3A_135 = vector.shape_cast %get3A_134 : vector<1x16xf32> to vector<16xf32>
      %mul3A_136 = vector.broadcast %squeeze3A_44 : f32 to vector<16xf32>
      %mul3A_137 = arith.mulf %mul3A_136, %get3A_135 : vector<16xf32>
      %add3A_138 = arith.addf %mul3A_130, %mul3A_137 : vector<16xf32>
      %get3A_139 = arith.constant 2 : i32
      %get3A_140 = arith.index_cast %get3A_139 : i32 to index
      %get3A_141 = arith.constant 16 : index
      %get3A_142 = tpu.vector_load %arg9[%get3A_140, %get3A_141] {strides = array<i32>} : memref<16x256xf32, #tpu.memory_space<vmem>>, vector<1x16xf32>,
      %get3A_143 = vector.shape_cast %get3A_142 : vector<1x16xf32> to vector<16xf32>
      %mul3A_144 = vector.broadcast %squeeze3A_46 : f32 to vector<16xf32>
      %mul3A_145 = arith.mulf %mul3A_144, %get3A_143 : vector<16xf32>
      %add3A_146 = arith.addf %add3A_138, %mul3A_145 : vector<16xf32>
      %get3A_147 = arith.constant 3 : i32
      %get3A_148 = arith.index_cast %get3A_147 : i32 to index
      %get3A_149 = arith.constant 16 : index
      %get3A_150 = tpu.vector_load %arg9[%get3A_148, %get3A_149] {strides = array<i32>} : memref<16x256xf32, #tpu.memory_space<vmem>>, vector<1x16xf32>,
      %get3A_151 = vector.shape_cast %get3A_150 : vector<1x16xf32> to vector<16xf32>
      %mul3A_152 = vector.broadcast %squeeze3A_48 : f32 to vector<16xf32>
      %mul3A_153 = arith.mulf %mul3A_152, %get3A_151 : vector<16xf32>
      %add3A_154 = arith.addf %add3A_146, %mul3A_153 : vector<16xf32>
      %get3A_155 = arith.constant 4 : i32
      %get3A_156 = arith.index_cast %get3A_155 : i32 to index
      %get3A_157 = arith.constant 16 : index
      %get3A_158 = tpu.vector_load %arg9[%get3A_156, %get3A_157] {strides = array<i32>} : memref<16x256xf32, #tpu.memory_space<vmem>>, vector<1x16xf32>,
      %get3A_159 = vector.shape_cast %get3A_158 : vector<1x16xf32> to vector<16xf32>
      %mul3A_160 = vector.broadcast %squeeze3A_50 : f32 to vector<16xf32>
      %mul3A_161 = arith.mulf %mul3A_160, %get3A_159 : vector<16xf32>
      %add3A_162 = arith.addf %add3A_154, %mul3A_161 : vector<16xf32>
      %get3A_163 = arith.constant 5 : i32
      %get3A_164 = arith.index_cast %get3A_163 : i32 to index
      %get3A_165 = arith.constant 16 : index
      %get3A_166 = tpu.vector_load %arg9[%get3A_164, %get3A_165] {strides = array<i32>} : memref<16x256xf32, #tpu.memory_space<vmem>>, vector<1x16xf32>,
      %get3A_167 = vector.shape_cast %get3A_166 : vector<1x16xf32> to vector<16xf32>
      %mul3A_168 = vector.broadcast %squeeze3A_52 : f32 to vector<16xf32>
      %mul3A_169 = arith.mulf %mul3A_168, %get3A_167 : vector<16xf32>
      %add3A_170 = arith.addf %add3A_162, %mul3A_169 : vector<16xf32>
      %get3A_171 = arith.constant 6 : i32
      %get3A_172 = arith.index_cast %get3A_171 : i32 to index
      %get3A_173 = arith.constant 16 : index
      %get3A_174 = tpu.vector_load %arg9[%get3A_172, %get3A_173] {strides = array<i32>} : memref<16x256xf32, #tpu.memory_space<vmem>>, vector<1x16xf32>,
      %get3A_175 = vector.shape_cast %get3A_174 : vector<1x16xf32> to vector<16xf32>
      %mul3A_176 = vector.broadcast %squeeze3A_54 : f32 to vector<16xf32>
      %mul3A_177 = arith.mulf %mul3A_176, %get3A_175 : vector<16xf32>
      %add3A_178 = arith.addf %add3A_170, %mul3A_177 : vector<16xf32>
      %get3A_179 = arith.constant 7 : i32
      %get3A_180 = arith.index_cast %get3A_179 : i32 to index
      %get3A_181 = arith.constant 16 : index
      %get3A_182 = tpu.vector_load %arg9[%get3A_180, %get3A_181] {strides = array<i32>} : memref<16x256xf32, #tpu.memory_space<vmem>>, vector<1x16xf32>,
      %get3A_183 = vector.shape_cast %get3A_182 : vector<1x16xf32> to vector<16xf32>
      %mul3A_184 = vector.broadcast %squeeze3A_56 : f32 to vector<16xf32>
      %mul3A_185 = arith.mulf %mul3A_184, %get3A_183 : vector<16xf32>
      %add3A_186 = arith.addf %add3A_178, %mul3A_185 : vector<16xf32>
      %swap3A_187 = arith.constant 16 : index
      %swap3A_188 = tpu.vector_load %arg11[%swap3A_187] {strides = array<i32>} : memref<256xf32, #tpu.memory_space<vmem>>, vector<16xf32>,
      %swap3A_189 = vector.shape_cast %swap3A_188 : vector<16xf32> to vector<16xf32>
      %swap3A_190 = vector.shape_cast %add3A_186 : vector<16xf32> to vector<16xf32>
      tpu.vector_store %arg11[%swap3A_187], %swap3A_190 {strides = array<i32>} : memref<256xf32, #tpu.memory_space<vmem>>, vector<16xf32>,
      %get3A_191 = arith.constant 0 : i32
      %get3A_192 = arith.index_cast %get3A_191 : i32 to index
      %get3A_193 = arith.constant 32 : index
      %get3A_194 = tpu.vector_load %arg9[%get3A_192, %get3A_193] {strides = array<i32>} : memref<16x256xf32, #tpu.memory_space<vmem>>, vector<1x16xf32>,
      %get3A_195 = vector.shape_cast %get3A_194 : vector<1x16xf32> to vector<16xf32>
      %mul3A_196 = vector.broadcast %squeeze3A_42 : f32 to vector<16xf32>
      %mul3A_197 = arith.mulf %mul3A_196, %get3A_195 : vector<16xf32>
      %get3A_198 = arith.constant 1 : i32
      %get3A_199 = arith.index_cast %get3A_198 : i32 to index
      %get3A_200 = arith.constant 32 : index
      %get3A_201 = tpu.vector_load %arg9[%get3A_199, %get3A_200] {strides = array<i32>} : memref<16x256xf32, #tpu.memory_space<vmem>>, vector<1x16xf32>,
      %get3A_202 = vector.shape_cast %get3A_201 : vector<1x16xf32> to vector<16xf32>
      %mul3A_203 = vector.broadcast %squeeze3A_44 : f32 to vector<16xf32>
      %mul3A_204 = arith.mulf %mul3A_203, %get3A_202 : vector<16xf32>
      %add3A_205 = arith.addf %mul3A_197, %mul3A_204 : vector<16xf32>
      %get3A_206 = arith.constant 2 : i32
      %get3A_207 = arith.index_cast %get3A_206 : i32 to index
      %get3A_208 = arith.constant 32 : index
      %get3A_209 = tpu.vector_load %arg9[%get3A_207, %get3A_208] {strides = array<i32>} : memref<16x256xf32, #tpu.memory_space<vmem>>, vector<1x16xf32>,
      %get3A_210 = vector.shape_cast %get3A_209 : vector<1x16xf32> to vector<16xf32>
      %mul3A_211 = vector.broadcast %squeeze3A_46 : f32 to vector<16xf32>
      %mul3A_212 = arith.mulf %mul3A_211, %get3A_210 : vector<16xf32>
      %add3A_213 = arith.addf %add3A_205, %mul3A_212 : vector<16xf32>
      %get3A_214 = arith.constant 3 : i32
      %get3A_215 = arith.index_cast %get3A_214 : i32 to index
      %get3A_216 = arith.constant 32 : index
      %get3A_217 = tpu.vector_load %arg9[%get3A_215, %get3A_216] {strides = array<i32>} : memref<16x256xf32, #tpu.memory_space<vmem>>, vector<1x16xf32>,
      %get3A_218 = vector.shape_cast %get3A_217 : vector<1x16xf32> to vector<16xf32>
      %mul3A_219 = vector.broadcast %squeeze3A_48 : f32 to vector<16xf32>
      %mul3A_220 = arith.mulf %mul3A_219, %get3A_218 : vector<16xf32>
      %add3A_221 = arith.addf %add3A_213, %mul3A_220 : vector<16xf32>
      %get3A_222 = arith.constant 4 : i32
      %get3A_223 = arith.index_cast %get3A_222 : i32 to index
      %get3A_224 = arith.constant 32 : index
      %get3A_225 = tpu.vector_load %arg9[%get3A_223, %get3A_224] {strides = array<i32>} : memref<16x256xf32, #tpu.memory_space<vmem>>, vector<1x16xf32>,
      %get3A_226 = vector.shape_cast %get3A_225 : vector<1x16xf32> to vector<16xf32>
      %mul3A_227 = vector.broadcast %squeeze3A_50 : f32 to vector<16xf32>
      %mul3A_228 = arith.mulf %mul3A_227, %get3A_226 : vector<16xf32>
      %add3A_229 = arith.addf %add3A_221, %mul3A_228 : vector<16xf32>
      %get3A_230 = arith.constant 5 : i32
      %get3A_231 = arith.index_cast %get3A_230 : i32 to index
      %get3A_232 = arith.constant 32 : index
      %get3A_233 = tpu.vector_load %arg9[%get3A_231, %get3A_232] {strides = array<i32>} : memref<16x256xf32, #tpu.memory_space<vmem>>, vector<1x16xf32>,
      %get3A_234 = vector.shape_cast %get3A_233 : vector<1x16xf32> to vector<16xf32>
      %mul3A_235 = vector.broadcast %squeeze3A_52 : f32 to vector<16xf32>
      %mul3A_236 = arith.mulf %mul3A_235, %get3A_234 : vector<16xf32>
      %add3A_237 = arith.addf %add3A_229, %mul3A_236 : vector<16xf32>
      %get3A_238 = arith.constant 6 : i32
      %get3A_239 = arith.index_cast %get3A_238 : i32 to index
      %get3A_240 = arith.constant 32 : index
      %get3A_241 = tpu.vector_load %arg9[%get3A_239, %get3A_240] {strides = array<i32>} : memref<16x256xf32, #tpu.memory_space<vmem>>, vector<1x16xf32>,
      %get3A_242 = vector.shape_cast %get3A_241 : vector<1x16xf32> to vector<16xf32>
      %mul3A_243 = vector.broadcast %squeeze3A_54 : f32 to vector<16xf32>
      %mul3A_244 = arith.mulf %mul3A_243, %get3A_242 : vector<16xf32>
      %add3A_245 = arith.addf %add3A_237, %mul3A_244 : vector<16xf32>
      %get3A_246 = arith.constant 7 : i32
      %get3A_247 = arith.index_cast %get3A_246 : i32 to index
      %get3A_248 = arith.constant 32 : index
      %get3A_249 = tpu.vector_load %arg9[%get3A_247, %get3A_248] {strides = array<i32>} : memref<16x256xf32, #tpu.memory_space<vmem>>, vector<1x16xf32>,
      %get3A_250 = vector.shape_cast %get3A_249 : vector<1x16xf32> to vector<16xf32>
      %mul3A_251 = vector.broadcast %squeeze3A_56 : f32 to vector<16xf32>
      %mul3A_252 = arith.mulf %mul3A_251, %get3A_250 : vector<16xf32>
      %add3A_253 = arith.addf %add3A_245, %mul3A_252 : vector<16xf32>
      %swap3A_254 = arith.constant 32 : index
      %swap3A_255 = tpu.vector_load %arg11[%swap3A_254] {strides = array<i32>} : memref<256xf32, #tpu.memory_space<vmem>>, vector<16xf32>,
      %swap3A_256 = vector.shape_cast %swap3A_255 : vector<16xf32> to vector<16xf32>
      %swap3A_257 = vector.shape_cast %add3A_253 : vector<16xf32> to vector<16xf32>
      tpu.vector_store %arg11[%swap3A_254], %swap3A_257 {strides = array<i32>} : memref<256xf32, #tpu.memory_space<vmem>>, vector<16xf32>,
      %get3A_258 = arith.constant 0 : i32
      %get3A_259 = arith.index_cast %get3A_258 : i32 to index
      %get3A_260 = arith.constant 48 : index
      %get3A_261 = tpu.vector_load %arg9[%get3A_259, %get3A_260] {strides = array<i32>} : memref<16x256xf32, #tpu.memory_space<vmem>>, vector<1x16xf32>,
      %get3A_262 = vector.shape_cast %get3A_261 : vector<1x16xf32> to vector<16xf32>
      %mul3A_263 = vector.broadcast %squeeze3A_42 : f32 to vector<16xf32>
      %mul3A_264 = arith.mulf %mul3A_263, %get3A_262 : vector<16xf32>
      %get3A_265 = arith.constant 1 : i32
      %get3A_266 = arith.index_cast %get3A_265 : i32 to index
      %get3A_267 = arith.constant 48 : index
      %get3A_268 = tpu.vector_load %arg9[%get3A_266, %get3A_267] {strides = array<i32>} : memref<16x256xf32, #tpu.memory_space<vmem>>, vector<1x16xf32>,
      %get3A_269 = vector.shape_cast %get3A_268 : vector<1x16xf32> to vector<16xf32>
      %mul3A_270 = vector.broadcast %squeeze3A_44 : f32 to vector<16xf32>
      %mul3A_271 = arith.mulf %mul3A_270, %get3A_269 : vector<16xf32>
      %add3A_272 = arith.addf %mul3A_264, %mul3A_271 : vector<16xf32>
      %get3A_273 = arith.constant 2 : i32
      %get3A_274 = arith.index_cast %get3A_273 : i32 to index
      %get3A_275 = arith.constant 48 : index
      %get3A_276 = tpu.vector_load %arg9[%get3A_274, %get3A_275] {strides = array<i32>} : memref<16x256xf32, #tpu.memory_space<vmem>>, vector<1x16xf32>,
      %get3A_277 = vector.shape_cast %get3A_276 : vector<1x16xf32> to vector<16xf32>
      %mul3A_278 = vector.broadcast %squeeze3A_46 : f32 to vector<16xf32>
      %mul3A_279 = arith.mulf %mul3A_278, %get3A_277 : vector<16xf32>
      %add3A_280 = arith.addf %add3A_272, %mul3A_279 : vector<16xf32>
      %get3A_281 = arith.constant 3 : i32
      %get3A_282 = arith.index_cast %get3A_281 : i32 to index
      %get3A_283 = arith.constant 48 : index
      %get3A_284 = tpu.vector_load %arg9[%get3A_282, %get3A_283] {strides = array<i32>} : memref<16x256xf32, #tpu.memory_space<vmem>>, vector<1x16xf32>,
      %get3A_285 = vector.shape_cast %get3A_284 : vector<1x16xf32> to vector<16xf32>
      %mul3A_286 = vector.broadcast %squeeze3A_48 : f32 to vector<16xf32>
      %mul3A_287 = arith.mulf %mul3A_286, %get3A_285 : vector<16xf32>
      %add3A_288 = arith.addf %add3A_280, %mul3A_287 : vector<16xf32>
      %get3A_289 = arith.constant 4 : i32
      %get3A_290 = arith.index_cast %get3A_289 : i32 to index
      %get3A_291 = arith.constant 48 : index
      %get3A_292 = tpu.vector_load %arg9[%get3A_290, %get3A_291] {strides = array<i32>} : memref<16x256xf32, #tpu.memory_space<vmem>>, vector<1x16xf32>,
      %get3A_293 = vector.shape_cast %get3A_292 : vector<1x16xf32> to vector<16xf32>
      %mul3A_294 = vector.broadcast %squeeze3A_50 : f32 to vector<16xf32>
      %mul3A_295 = arith.mulf %mul3A_294, %get3A_293 : vector<16xf32>
      %add3A_296 = arith.addf %add3A_288, %mul3A_295 : vector<16xf32>
      %get3A_297 = arith.constant 5 : i32
      %get3A_298 = arith.index_cast %get3A_297 : i32 to index
      %get3A_299 = arith.constant 48 : index
      %get3A_300 = tpu.vector_load %arg9[%get3A_298, %get3A_299] {strides = array<i32>} : memref<16x256xf32, #tpu.memory_space<vmem>>, vector<1x16xf32>,
      %get3A_301 = vector.shape_cast %get3A_300 : vector<1x16xf32> to vector<16xf32>
      %mul3A_302 = vector.broadcast %squeeze3A_52 : f32 to vector<16xf32>
      %mul3A_303 = arith.mulf %mul3A_302, %get3A_301 : vector<16xf32>
      %add3A_304 = arith.addf %add3A_296, %mul3A_303 : vector<16xf32>
      %get3A_305 = arith.constant 6 : i32
      %get3A_306 = arith.index_cast %get3A_305 : i32 to index
      %get3A_307 = arith.constant 48 : index
      %get3A_308 = tpu.vector_load %arg9[%get3A_306, %get3A_307] {strides = array<i32>} : memref<16x256xf32, #tpu.memory_space<vmem>>, vector<1x16xf32>,
      %get3A_309 = vector.shape_cast %get3A_308 : vector<1x16xf32> to vector<16xf32>
      %mul3A_310 = vector.broadcast %squeeze3A_54 : f32 to vector<16xf32>
      %mul3A_311 = arith.mulf %mul3A_310, %get3A_309 : vector<16xf32>
      %add3A_312 = arith.addf %add3A_304, %mul3A_311 : vector<16xf32>
      %get3A_313 = arith.constant 7 : i32
      %get3A_314 = arith.index_cast %get3A_313 : i32 to index
      %get3A_315 = arith.constant 48 : index
      %get3A_316 = tpu.vector_load %arg9[%get3A_314, %get3A_315] {strides = array<i32>} : memref<16x256xf32, #tpu.memory_space<vmem>>, vector<1x16xf32>,
      %get3A_317 = vector.shape_cast %get3A_316 : vector<1x16xf32> to vector<16xf32>
      %mul3A_318 = vector.broadcast %squeeze3A_56 : f32 to vector<16xf32>
      %mul3A_319 = arith.mulf %mul3A_318, %get3A_317 : vector<16xf32>
      %add3A_320 = arith.addf %add3A_312, %mul3A_319 : vector<16xf32>
      %swap3A_321 = arith.constant 48 : index
      %swap3A_322 = tpu.vector_load %arg11[%swap3A_321] {strides = array<i32>} : memref<256xf32, #tpu.memory_space<vmem>>, vector<16xf32>,
      %swap3A_323 = vector.shape_cast %swap3A_322 : vector<16xf32> to vector<16xf32>
      %swap3A_324 = vector.shape_cast %add3A_320 : vector<16xf32> to vector<16xf32>
      tpu.vector_store %arg11[%swap3A_321], %swap3A_324 {strides = array<i32>} : memref<256xf32, #tpu.memory_space<vmem>>, vector<16xf32>,
      %get3A_325 = arith.constant 0 : i32
      %get3A_326 = arith.index_cast %get3A_325 : i32 to index
      %get3A_327 = arith.constant 64 : index
      %get3A_328 = tpu.vector_load %arg9[%get3A_326, %get3A_327] {strides = array<i32>} : memref<16x256xf32, #tpu.memory_space<vmem>>, vector<1x16xf32>,
      %get3A_329 = vector.shape_cast %get3A_328 : vector<1x16xf32> to vector<16xf32>
      %mul3A_330 = vector.broadcast %squeeze3A_42 : f32 to vector<16xf32>
      %mul3A_331 = arith.mulf %mul3A_330, %get3A_329 : vector<16xf32>
      %get3A_332 = arith.constant 1 : i32
      %get3A_333 = arith.index_cast %get3A_332 : i32 to index
      %get3A_334 = arith.constant 64 : index
      %get3A_335 = tpu.vector_load %arg9[%get3A_333, %get3A_334] {strides = array<i32>} : memref<16x256xf32, #tpu.memory_space<vmem>>, vector<1x16xf32>,
      %get3A_336 = vector.shape_cast %get3A_335 : vector<1x16xf32> to vector<16xf32>
      %mul3A_337 = vector.broadcast %squeeze3A_44 : f32 to vector<16xf32>
      %mul3A_338 = arith.mulf %mul3A_337, %get3A_336 : vector<16xf32>
      %add3A_339 = arith.addf %mul3A_331, %mul3A_338 : vector<16xf32>
      %get3A_340 = arith.constant 2 : i32
      %get3A_341 = arith.index_cast %get3A_340 : i32 to index
      %get3A_342 = arith.constant 64 : index
      %get3A_343 = tpu.vector_load %arg9[%get3A_341, %get3A_342] {strides = array<i32>} : memref<16x256xf32, #tpu.memory_space<vmem>>, vector<1x16xf32>,
      %get3A_344 = vector.shape_cast %get3A_343 : vector<1x16xf32> to vector<16xf32>
      %mul3A_345 = vector.broadcast %squeeze3A_46 : f32 to vector<16xf32>
      %mul3A_346 = arith.mulf %mul3A_345, %get3A_344 : vector<16xf32>
      %add3A_347 = arith.addf %add3A_339, %mul3A_346 : vector<16xf32>
      %get3A_348 = arith.constant 3 : i32
      %get3A_349 = arith.index_cast %get3A_348 : i32 to index
      %get3A_350 = arith.constant 64 : index
      %get3A_351 = tpu.vector_load %arg9[%get3A_349, %get3A_350] {strides = array<i32>} : memref<16x256xf32, #tpu.memory_space<vmem>>, vector<1x16xf32>,
      %get3A_352 = vector.shape_cast %get3A_351 : vector<1x16xf32> to vector<16xf32>
      %mul3A_353 = vector.broadcast %squeeze3A_48 : f32 to vector<16xf32>
      %mul3A_354 = arith.mulf %mul3A_353, %get3A_352 : vector<16xf32>
      %add3A_355 = arith.addf %add3A_347, %mul3A_354 : vector<16xf32>
      %get3A_356 = arith.constant 4 : i32
      %get3A_357 = arith.index_cast %get3A_356 : i32 to index
      %get3A_358 = arith.constant 64 : index
      %get3A_359 = tpu.vector_load %arg9[%get3A_357, %get3A_358] {strides = array<i32>} : memref<16x256xf32, #tpu.memory_space<vmem>>, vector<1x16xf32>,
      %get3A_360 = vector.shape_cast %get3A_359 : vector<1x16xf32> to vector<16xf32>
      %mul3A_361 = vector.broadcast %squeeze3A_50 : f32 to vector<16xf32>
      %mul3A_362 = arith.mulf %mul3A_361, %get3A_360 : vector<16xf32>
      %add3A_363 = arith.addf %add3A_355, %mul3A_362 : vector<16xf32>
      %get3A_364 = arith.constant 5 : i32
      %get3A_365 = arith.index_cast %get3A_364 : i32 to index
      %get3A_366 = arith.constant 64 : index
      %get3A_367 = tpu.vector_load %arg9[%get3A_365, %get3A_366] {strides = array<i32>} : memref<16x256xf32, #tpu.memory_space<vmem>>, vector<1x16xf32>,
      %get3A_368 = vector.shape_cast %get3A_367 : vector<1x16xf32> to vector<16xf32>
      %mul3A_369 = vector.broadcast %squeeze3A_52 : f32 to vector<16xf32>
      %mul3A_370 = arith.mulf %mul3A_369, %get3A_368 : vector<16xf32>
      %add3A_371 = arith.addf %add3A_363, %mul3A_370 : vector<16xf32>
      %get3A_372 = arith.constant 6 : i32
      %get3A_373 = arith.index_cast %get3A_372 : i32 to index
      %get3A_374 = arith.constant 64 : index
      %get3A_375 = tpu.vector_load %arg9[%get3A_373, %get3A_374] {strides = array<i32>} : memref<16x256xf32, #tpu.memory_space<vmem>>, vector<1x16xf32>,
      %get3A_376 = vector.shape_cast %get3A_375 : vector<1x16xf32> to vector<16xf32>
      %mul3A_377 = vector.broadcast %squeeze3A_54 : f32 to vector<16xf32>
      %mul3A_378 = arith.mulf %mul3A_377, %get3A_376 : vector<16xf32>
      %add3A_379 = arith.addf %add3A_371, %mul3A_378 : vector<16xf32>
      %get3A_380 = arith.constant 7 : i32
      %get3A_381 = arith.index_cast %get3A_380 : i32 to index
      %get3A_382 = arith.constant 64 : index
      %get3A_383 = tpu.vector_load %arg9[%get3A_381, %get3A_382] {strides = array<i32>} : memref<16x256xf32, #tpu.memory_space<vmem>>, vector<1x16xf32>,
      %get3A_384 = vector.shape_cast %get3A_383 : vector<1x16xf32> to vector<16xf32>
      %mul3A_385 = vector.broadcast %squeeze3A_56 : f32 to vector<16xf32>
      %mul3A_386 = arith.mulf %mul3A_385, %get3A_384 : vector<16xf32>
      %add3A_387 = arith.addf %add3A_379, %mul3A_386 : vector<16xf32>
      %swap3A_388 = arith.constant 64 : index
      %swap3A_389 = tpu.vector_load %arg11[%swap3A_388] {strides = array<i32>} : memref<256xf32, #tpu.memory_space<vmem>>, vector<16xf32>,
      %swap3A_390 = vector.shape_cast %swap3A_389 : vector<16xf32> to vector<16xf32>
      %swap3A_391 = vector.shape_cast %add3A_387 : vector<16xf32> to vector<16xf32>
      tpu.vector_store %arg11[%swap3A_388], %swap3A_391 {strides = array<i32>} : memref<256xf32, #tpu.memory_space<vmem>>, vector<16xf32>,
      %get3A_392 = arith.constant 0 : i32
      %get3A_393 = arith.index_cast %get3A_392 : i32 to index
      %get3A_394 = arith.constant 80 : index
      %get3A_395 = tpu.vector_load %arg9[%get3A_393, %get3A_394] {strides = array<i32>} : memref<16x256xf32, #tpu.memory_space<vmem>>, vector<1x16xf32>,
      %get3A_396 = vector.shape_cast %get3A_395 : vector<1x16xf32> to vector<16xf32>
      %mul3A_397 = vector.broadcast %squeeze3A_42 : f32 to vector<16xf32>
      %mul3A_398 = arith.mulf %mul3A_397, %get3A_396 : vector<16xf32>
      %get3A_399 = arith.constant 1 : i32
      %get3A_400 = arith.index_cast %get3A_399 : i32 to index
      %get3A_401 = arith.constant 80 : index
      %get3A_402 = tpu.vector_load %arg9[%get3A_400, %get3A_401] {strides = array<i32>} : memref<16x256xf32, #tpu.memory_space<vmem>>, vector<1x16xf32>,
      %get3A_403 = vector.shape_cast %get3A_402 : vector<1x16xf32> to vector<16xf32>
      %mul3A_404 = vector.broadcast %squeeze3A_44 : f32 to vector<16xf32>
      %mul3A_405 = arith.mulf %mul3A_404, %get3A_403 : vector<16xf32>
      %add3A_406 = arith.addf %mul3A_398, %mul3A_405 : vector<16xf32>
      %get3A_407 = arith.constant 2 : i32
      %get3A_408 = arith.index_cast %get3A_407 : i32 to index
      %get3A_409 = arith.constant 80 : index
      %get3A_410 = tpu.vector_load %arg9[%get3A_408, %get3A_409] {strides = array<i32>} : memref<16x256xf32, #tpu.memory_space<vmem>>, vector<1x16xf32>,
      %get3A_411 = vector.shape_cast %get3A_410 : vector<1x16xf32> to vector<16xf32>
      %mul3A_412 = vector.broadcast %squeeze3A_46 : f32 to vector<16xf32>
      %mul3A_413 = arith.mulf %mul3A_412, %get3A_411 : vector<16xf32>
      %add3A_414 = arith.addf %add3A_406, %mul3A_413 : vector<16xf32>
      %get3A_415 = arith.constant 3 : i32
      %get3A_416 = arith.index_cast %get3A_415 : i32 to index
      %get3A_417 = arith.constant 80 : index
      %get3A_418 = tpu.vector_load %arg9[%get3A_416, %get3A_417] {strides = array<i32>} : memref<16x256xf32, #tpu.memory_space<vmem>>, vector<1x16xf32>,
      %get3A_419 = vector.shape_cast %get3A_418 : vector<1x16xf32> to vector<16xf32>
      %mul3A_420 = vector.broadcast %squeeze3A_48 : f32 to vector<16xf32>
      %mul3A_421 = arith.mulf %mul3A_420, %get3A_419 : vector<16xf32>
      %add3A_422 = arith.addf %add3A_414, %mul3A_421 : vector<16xf32>
      %get3A_423 = arith.constant 4 : i32
      %get3A_424 = arith.index_cast %get3A_423 : i32 to index
      %get3A_425 = arith.constant 80 : index
      %get3A_426 = tpu.vector_load %arg9[%get3A_424, %get3A_425] {strides = array<i32>} : memref<16x256xf32, #tpu.memory_space<vmem>>, vector<1x16xf32>,
      %get3A_427 = vector.shape_cast %get3A_426 : vector<1x16xf32> to vector<16xf32>
      %mul3A_428 = vector.broadcast %squeeze3A_50 : f32 to vector<16xf32>
      %mul3A_429 = arith.mulf %mul3A_428, %get3A_427 : vector<16xf32>
      %add3A_430 = arith.addf %add3A_422, %mul3A_429 : vector<16xf32>
      %get3A_431 = arith.constant 5 : i32
      %get3A_432 = arith.index_cast %get3A_431 : i32 to index
      %get3A_433 = arith.constant 80 : index
      %get3A_434 = tpu.vector_load %arg9[%get3A_432, %get3A_433] {strides = array<i32>} : memref<16x256xf32, #tpu.memory_space<vmem>>, vector<1x16xf32>,
      %get3A_435 = vector.shape_cast %get3A_434 : vector<1x16xf32> to vector<16xf32>
      %mul3A_436 = vector.broadcast %squeeze3A_52 : f32 to vector<16xf32>
      %mul3A_437 = arith.mulf %mul3A_436, %get3A_435 : vector<16xf32>
      %add3A_438 = arith.addf %add3A_430, %mul3A_437 : vector<16xf32>
      %get3A_439 = arith.constant 6 : i32
      %get3A_440 = arith.index_cast %get3A_439 : i32 to index
      %get3A_441 = arith.constant 80 : index
      %get3A_442 = tpu.vector_load %arg9[%get3A_440, %get3A_441] {strides = array<i32>} : memref<16x256xf32, #tpu.memory_space<vmem>>, vector<1x16xf32>,
      %get3A_443 = vector.shape_cast %get3A_442 : vector<1x16xf32> to vector<16xf32>
      %mul3A_444 = vector.broadcast %squeeze3A_54 : f32 to vector<16xf32>
      %mul3A_445 = arith.mulf %mul3A_444, %get3A_443 : vector<16xf32>
      %add3A_446 = arith.addf %add3A_438, %mul3A_445 : vector<16xf32>
      %get3A_447 = arith.constant 7 : i32
      %get3A_448 = arith.index_cast %get3A_447 : i32 to index
      %get3A_449 = arith.constant 80 : index
      %get3A_450 = tpu.vector_load %arg9[%get3A_448, %get3A_449] {strides = array<i32>} : memref<16x256xf32, #tpu.memory_space<vmem>>, vector<1x16xf32>,
      %get3A_451 = vector.shape_cast %get3A_450 : vector<1x16xf32> to vector<16xf32>
      %mul3A_452 = vector.broadcast %squeeze3A_56 : f32 to vector<16xf32>
      %mul3A_453 = arith.mulf %mul3A_452, %get3A_451 : vector<16xf32>
      %add3A_454 = arith.addf %add3A_446, %mul3A_453 : vector<16xf32>
      %swap3A_455 = arith.constant 80 : index
      %swap3A_456 = tpu.vector_load %arg11[%swap3A_455] {strides = array<i32>} : memref<256xf32, #tpu.memory_space<vmem>>, vector<16xf32>,
      %swap3A_457 = vector.shape_cast %swap3A_456 : vector<16xf32> to vector<16xf32>
      %swap3A_458 = vector.shape_cast %add3A_454 : vector<16xf32> to vector<16xf32>
      tpu.vector_store %arg11[%swap3A_455], %swap3A_458 {strides = array<i32>} : memref<256xf32, #tpu.memory_space<vmem>>, vector<16xf32>,
      %get3A_459 = arith.constant 0 : i32
      %get3A_460 = arith.index_cast %get3A_459 : i32 to index
      %get3A_461 = arith.constant 96 : index
      %get3A_462 = tpu.vector_load %arg9[%get3A_460, %get3A_461] {strides = array<i32>} : memref<16x256xf32, #tpu.memory_space<vmem>>, vector<1x16xf32>,
      %get3A_463 = vector.shape_cast %get3A_462 : vector<1x16xf32> to vector<16xf32>
      %mul3A_464 = vector.broadcast %squeeze3A_42 : f32 to vector<16xf32>
      %mul3A_465 = arith.mulf %mul3A_464, %get3A_463 : vector<16xf32>
      %get3A_466 = arith.constant 1 : i32
      %get3A_467 = arith.index_cast %get3A_466 : i32 to index
      %get3A_468 = arith.constant 96 : index
      %get3A_469 = tpu.vector_load %arg9[%get3A_467, %get3A_468] {strides = array<i32>} : memref<16x256xf32, #tpu.memory_space<vmem>>, vector<1x16xf32>,
      %get3A_470 = vector.shape_cast %get3A_469 : vector<1x16xf32> to vector<16xf32>
      %mul3A_471 = vector.broadcast %squeeze3A_44 : f32 to vector<16xf32>
      %mul3A_472 = arith.mulf %mul3A_471, %get3A_470 : vector<16xf32>
      %add3A_473 = arith.addf %mul3A_465, %mul3A_472 : vector<16xf32>
      %get3A_474 = arith.constant 2 : i32
      %get3A_475 = arith.index_cast %get3A_474 : i32 to index
      %get3A_476 = arith.constant 96 : index
      %get3A_477 = tpu.vector_load %arg9[%get3A_475, %get3A_476] {strides = array<i32>} : memref<16x256xf32, #tpu.memory_space<vmem>>, vector<1x16xf32>,
      %get3A_478 = vector.shape_cast %get3A_477 : vector<1x16xf32> to vector<16xf32>
      %mul3A_479 = vector.broadcast %squeeze3A_46 : f32 to vector<16xf32>
      %mul3A_480 = arith.mulf %mul3A_479, %get3A_478 : vector<16xf32>
      %add3A_481 = arith.addf %add3A_473, %mul3A_480 : vector<16xf32>
      %get3A_482 = arith.constant 3 : i32
      %get3A_483 = arith.index_cast %get3A_482 : i32 to index
      %get3A_484 = arith.constant 96 : index
      %get3A_485 = tpu.vector_load %arg9[%get3A_483, %get3A_484] {strides = array<i32>} : memref<16x256xf32, #tpu.memory_space<vmem>>, vector<1x16xf32>,
      %get3A_486 = vector.shape_cast %get3A_485 : vector<1x16xf32> to vector<16xf32>
      %mul3A_487 = vector.broadcast %squeeze3A_48 : f32 to vector<16xf32>
      %mul3A_488 = arith.mulf %mul3A_487, %get3A_486 : vector<16xf32>
      %add3A_489 = arith.addf %add3A_481, %mul3A_488 : vector<16xf32>
      %get3A_490 = arith.constant 4 : i32
      %get3A_491 = arith.index_cast %get3A_490 : i32 to index
      %get3A_492 = arith.constant 96 : index
      %get3A_493 = tpu.vector_load %arg9[%get3A_491, %get3A_492] {strides = array<i32>} : memref<16x256xf32, #tpu.memory_space<vmem>>, vector<1x16xf32>,
      %get3A_494 = vector.shape_cast %get3A_493 : vector<1x16xf32> to vector<16xf32>
      %mul3A_495 = vector.broadcast %squeeze3A_50 : f32 to vector<16xf32>
      %mul3A_496 = arith.mulf %mul3A_495, %get3A_494 : vector<16xf32>
      %add3A_497 = arith.addf %add3A_489, %mul3A_496 : vector<16xf32>
      %get3A_498 = arith.constant 5 : i32
      %get3A_499 = arith.index_cast %get3A_498 : i32 to index
      %get3A_500 = arith.constant 96 : index
      %get3A_501 = tpu.vector_load %arg9[%get3A_499, %get3A_500] {strides = array<i32>} : memref<16x256xf32, #tpu.memory_space<vmem>>, vector<1x16xf32>,
      %get3A_502 = vector.shape_cast %get3A_501 : vector<1x16xf32> to vector<16xf32>
      %mul3A_503 = vector.broadcast %squeeze3A_52 : f32 to vector<16xf32>
      %mul3A_504 = arith.mulf %mul3A_503, %get3A_502 : vector<16xf32>
      %add3A_505 = arith.addf %add3A_497, %mul3A_504 : vector<16xf32>
      %get3A_506 = arith.constant 6 : i32
      %get3A_507 = arith.index_cast %get3A_506 : i32 to index
      %get3A_508 = arith.constant 96 : index
      %get3A_509 = tpu.vector_load %arg9[%get3A_507, %get3A_508] {strides = array<i32>} : memref<16x256xf32, #tpu.memory_space<vmem>>, vector<1x16xf32>,
      %get3A_510 = vector.shape_cast %get3A_509 : vector<1x16xf32> to vector<16xf32>
      %mul3A_511 = vector.broadcast %squeeze3A_54 : f32 to vector<16xf32>
      %mul3A_512 = arith.mulf %mul3A_511, %get3A_510 : vector<16xf32>
      %add3A_513 = arith.addf %add3A_505, %mul3A_512 : vector<16xf32>
      %get3A_514 = arith.constant 7 : i32
      %get3A_515 = arith.index_cast %get3A_514 : i32 to index
      %get3A_516 = arith.constant 96 : index
      %get3A_517 = tpu.vector_load %arg9[%get3A_515, %get3A_516] {strides = array<i32>} : memref<16x256xf32, #tpu.memory_space<vmem>>, vector<1x16xf32>,
      %get3A_518 = vector.shape_cast %get3A_517 : vector<1x16xf32> to vector<16xf32>
      %mul3A_519 = vector.broadcast %squeeze3A_56 : f32 to vector<16xf32>
      %mul3A_520 = arith.mulf %mul3A_519, %get3A_518 : vector<16xf32>
      %add3A_521 = arith.addf %add3A_513, %mul3A_520 : vector<16xf32>
      %swap3A_522 = arith.constant 96 : index
      %swap3A_523 = tpu.vector_load %arg11[%swap3A_522] {strides = array<i32>} : memref<256xf32, #tpu.memory_space<vmem>>, vector<16xf32>,
      %swap3A_524 = vector.shape_cast %swap3A_523 : vector<16xf32> to vector<16xf32>
      %swap3A_525 = vector.shape_cast %add3A_521 : vector<16xf32> to vector<16xf32>
      tpu.vector_store %arg11[%swap3A_522], %swap3A_525 {strides = array<i32>} : memref<256xf32, #tpu.memory_space<vmem>>, vector<16xf32>,
      %get3A_526 = arith.constant 0 : i32
      %get3A_527 = arith.index_cast %get3A_526 : i32 to index
      %get3A_528 = arith.constant 112 : index
      %get3A_529 = tpu.vector_load %arg9[%get3A_527, %get3A_528] {strides = array<i32>} : memref<16x256xf32, #tpu.memory_space<vmem>>, vector<1x16xf32>,
      %get3A_530 = vector.shape_cast %get3A_529 : vector<1x16xf32> to vector<16xf32>
      %mul3A_531 = vector.broadcast %squeeze3A_42 : f32 to vector<16xf32>
      %mul3A_532 = arith.mulf %mul3A_531, %get3A_530 : vector<16xf32>
      %get3A_533 = arith.constant 1 : i32
      %get3A_534 = arith.index_cast %get3A_533 : i32 to index
      %get3A_535 = arith.constant 112 : index
      %get3A_536 = tpu.vector_load %arg9[%get3A_534, %get3A_535] {strides = array<i32>} : memref<16x256xf32, #tpu.memory_space<vmem>>, vector<1x16xf32>,
      %get3A_537 = vector.shape_cast %get3A_536 : vector<1x16xf32> to vector<16xf32>
      %mul3A_538 = vector.broadcast %squeeze3A_44 : f32 to vector<16xf32>
      %mul3A_539 = arith.mulf %mul3A_538, %get3A_537 : vector<16xf32>
      %add3A_540 = arith.addf %mul3A_532, %mul3A_539 : vector<16xf32>
      %get3A_541 = arith.constant 2 : i32
      %get3A_542 = arith.index_cast %get3A_541 : i32 to index
      %get3A_543 = arith.constant 112 : index
      %get3A_544 = tpu.vector_load %arg9[%get3A_542, %get3A_543] {strides = array<i32>} : memref<16x256xf32, #tpu.memory_space<vmem>>, vector<1x16xf32>,
      %get3A_545 = vector.shape_cast %get3A_544 : vector<1x16xf32> to vector<16xf32>
      %mul3A_546 = vector.broadcast %squeeze3A_46 : f32 to vector<16xf32>
      %mul3A_547 = arith.mulf %mul3A_546, %get3A_545 : vector<16xf32>
      %add3A_548 = arith.addf %add3A_540, %mul3A_547 : vector<16xf32>
      %get3A_549 = arith.constant 3 : i32
      %get3A_550 = arith.index_cast %get3A_549 : i32 to index
      %get3A_551 = arith.constant 112 : index
      %get3A_552 = tpu.vector_load %arg9[%get3A_550, %get3A_551] {strides = array<i32>} : memref<16x256xf32, #tpu.memory_space<vmem>>, vector<1x16xf32>,
      %get3A_553 = vector.shape_cast %get3A_552 : vector<1x16xf32> to vector<16xf32>
      %mul3A_554 = vector.broadcast %squeeze3A_48 : f32 to vector<16xf32>
      %mul3A_555 = arith.mulf %mul3A_554, %get3A_553 : vector<16xf32>
      %add3A_556 = arith.addf %add3A_548, %mul3A_555 : vector<16xf32>
      %get3A_557 = arith.constant 4 : i32
      %get3A_558 = arith.index_cast %get3A_557 : i32 to index
      %get3A_559 = arith.constant 112 : index
      %get3A_560 = tpu.vector_load %arg9[%get3A_558, %get3A_559] {strides = array<i32>} : memref<16x256xf32, #tpu.memory_space<vmem>>, vector<1x16xf32>,
      %get3A_561 = vector.shape_cast %get3A_560 : vector<1x16xf32> to vector<16xf32>
      %mul3A_562 = vector.broadcast %squeeze3A_50 : f32 to vector<16xf32>
      %mul3A_563 = arith.mulf %mul3A_562, %get3A_561 : vector<16xf32>
      %add3A_564 = arith.addf %add3A_556, %mul3A_563 : vector<16xf32>
      %get3A_565 = arith.constant 5 : i32
      %get3A_566 = arith.index_cast %get3A_565 : i32 to index
      %get3A_567 = arith.constant 112 : index
      %get3A_568 = tpu.vector_load %arg9[%get3A_566, %get3A_567] {strides = array<i32>} : memref<16x256xf32, #tpu.memory_space<vmem>>, vector<1x16xf32>,
      %get3A_569 = vector.shape_cast %get3A_568 : vector<1x16xf32> to vector<16xf32>
      %mul3A_570 = vector.broadcast %squeeze3A_52 : f32 to vector<16xf32>
      %mul3A_571 = arith.mulf %mul3A_570, %get3A_569 : vector<16xf32>
      %add3A_572 = arith.addf %add3A_564, %mul3A_571 : vector<16xf32>
      %get3A_573 = arith.constant 6 : i32
      %get3A_574 = arith.index_cast %get3A_573 : i32 to index
      %get3A_575 = arith.constant 112 : index
      %get3A_576 = tpu.vector_load %arg9[%get3A_574, %get3A_575] {strides = array<i32>} : memref<16x256xf32, #tpu.memory_space<vmem>>, vector<1x16xf32>,
      %get3A_577 = vector.shape_cast %get3A_576 : vector<1x16xf32> to vector<16xf32>
      %mul3A_578 = vector.broadcast %squeeze3A_54 : f32 to vector<16xf32>
      %mul3A_579 = arith.mulf %mul3A_578, %get3A_577 : vector<16xf32>
      %add3A_580 = arith.addf %add3A_572, %mul3A_579 : vector<16xf32>
      %get3A_581 = arith.constant 7 : i32
      %get3A_582 = arith.index_cast %get3A_581 : i32 to index
      %get3A_583 = arith.constant 112 : index
      %get3A_584 = tpu.vector_load %arg9[%get3A_582, %get3A_583] {strides = array<i32>} : memref<16x256xf32, #tpu.memory_space<vmem>>, vector<1x16xf32>,
      %get3A_585 = vector.shape_cast %get3A_584 : vector<1x16xf32> to vector<16xf32>
      %mul3A_586 = vector.broadcast %squeeze3A_56 : f32 to vector<16xf32>
      %mul3A_587 = arith.mulf %mul3A_586, %get3A_585 : vector<16xf32>
      %add3A_588 = arith.addf %add3A_580, %mul3A_587 : vector<16xf32>
      %swap3A_589 = arith.constant 112 : index
      %swap3A_590 = tpu.vector_load %arg11[%swap3A_589] {strides = array<i32>} : memref<256xf32, #tpu.memory_space<vmem>>, vector<16xf32>,
      %swap3A_591 = vector.shape_cast %swap3A_590 : vector<16xf32> to vector<16xf32>
      %swap3A_592 = vector.shape_cast %add3A_588 : vector<16xf32> to vector<16xf32>
      tpu.vector_store %arg11[%swap3A_589], %swap3A_592 {strides = array<i32>} : memref<256xf32, #tpu.memory_space<vmem>>, vector<16xf32>,
      %get3A_593 = arith.constant 0 : i32
      %get3A_594 = arith.index_cast %get3A_593 : i32 to index
      %get3A_595 = arith.constant 128 : index
      %get3A_596 = tpu.vector_load %arg9[%get3A_594, %get3A_595] {strides = array<i32>} : memref<16x256xf32, #tpu.memory_space<vmem>>, vector<1x16xf32>,
      %get3A_597 = vector.shape_cast %get3A_596 : vector<1x16xf32> to vector<16xf32>
      %mul3A_598 = vector.broadcast %squeeze3A_42 : f32 to vector<16xf32>
      %mul3A_599 = arith.mulf %mul3A_598, %get3A_597 : vector<16xf32>
      %get3A_600 = arith.constant 1 : i32
      %get3A_601 = arith.index_cast %get3A_600 : i32 to index
      %get3A_602 = arith.constant 128 : index
      %get3A_603 = tpu.vector_load %arg9[%get3A_601, %get3A_602] {strides = array<i32>} : memref<16x256xf32, #tpu.memory_space<vmem>>, vector<1x16xf32>,
      %get3A_604 = vector.shape_cast %get3A_603 : vector<1x16xf32> to vector<16xf32>
      %mul3A_605 = vector.broadcast %squeeze3A_44 : f32 to vector<16xf32>
      %mul3A_606 = arith.mulf %mul3A_605, %get3A_604 : vector<16xf32>
      %add3A_607 = arith.addf %mul3A_599, %mul3A_606 : vector<16xf32>
      %get3A_608 = arith.constant 2 : i32
      %get3A_609 = arith.index_cast %get3A_608 : i32 to index
      %get3A_610 = arith.constant 128 : index
      %get3A_611 = tpu.vector_load %arg9[%get3A_609, %get3A_610] {strides = array<i32>} : memref<16x256xf32, #tpu.memory_space<vmem>>, vector<1x16xf32>,
      %get3A_612 = vector.shape_cast %get3A_611 : vector<1x16xf32> to vector<16xf32>
      %mul3A_613 = vector.broadcast %squeeze3A_46 : f32 to vector<16xf32>
      %mul3A_614 = arith.mulf %mul3A_613, %get3A_612 : vector<16xf32>
      %add3A_615 = arith.addf %add3A_607, %mul3A_614 : vector<16xf32>
      %get3A_616 = arith.constant 3 : i32
      %get3A_617 = arith.index_cast %get3A_616 : i32 to index
      %get3A_618 = arith.constant 128 : index
      %get3A_619 = tpu.vector_load %arg9[%get3A_617, %get3A_618] {strides = array<i32>} : memref<16x256xf32, #tpu.memory_space<vmem>>, vector<1x16xf32>,
      %get3A_620 = vector.shape_cast %get3A_619 : vector<1x16xf32> to vector<16xf32>
      %mul3A_621 = vector.broadcast %squeeze3A_48 : f32 to vector<16xf32>
      %mul3A_622 = arith.mulf %mul3A_621, %get3A_620 : vector<16xf32>
      %add3A_623 = arith.addf %add3A_615, %mul3A_622 : vector<16xf32>
      %get3A_624 = arith.constant 4 : i32
      %get3A_625 = arith.index_cast %get3A_624 : i32 to index
      %get3A_626 = arith.constant 128 : index
      %get3A_627 = tpu.vector_load %arg9[%get3A_625, %get3A_626] {strides = array<i32>} : memref<16x256xf32, #tpu.memory_space<vmem>>, vector<1x16xf32>,
      %get3A_628 = vector.shape_cast %get3A_627 : vector<1x16xf32> to vector<16xf32>
      %mul3A_629 = vector.broadcast %squeeze3A_50 : f32 to vector<16xf32>
      %mul3A_630 = arith.mulf %mul3A_629, %get3A_628 : vector<16xf32>
      %add3A_631 = arith.addf %add3A_623, %mul3A_630 : vector<16xf32>
      %get3A_632 = arith.constant 5 : i32
      %get3A_633 = arith.index_cast %get3A_632 : i32 to index
      %get3A_634 = arith.constant 128 : index
      %get3A_635 = tpu.vector_load %arg9[%get3A_633, %get3A_634] {strides = array<i32>} : memref<16x256xf32, #tpu.memory_space<vmem>>, vector<1x16xf32>,
      %get3A_636 = vector.shape_cast %get3A_635 : vector<1x16xf32> to vector<16xf32>
      %mul3A_637 = vector.broadcast %squeeze3A_52 : f32 to vector<16xf32>
      %mul3A_638 = arith.mulf %mul3A_637, %get3A_636 : vector<16xf32>
      %add3A_639 = arith.addf %add3A_631, %mul3A_638 : vector<16xf32>
      %get3A_640 = arith.constant 6 : i32
      %get3A_641 = arith.index_cast %get3A_640 : i32 to index
      %get3A_642 = arith.constant 128 : index
      %get3A_643 = tpu.vector_load %arg9[%get3A_641, %get3A_642] {strides = array<i32>} : memref<16x256xf32, #tpu.memory_space<vmem>>, vector<1x16xf32>,
      %get3A_644 = vector.shape_cast %get3A_643 : vector<1x16xf32> to vector<16xf32>
      %mul3A_645 = vector.broadcast %squeeze3A_54 : f32 to vector<16xf32>
      %mul3A_646 = arith.mulf %mul3A_645, %get3A_644 : vector<16xf32>
      %add3A_647 = arith.addf %add3A_639, %mul3A_646 : vector<16xf32>
      %get3A_648 = arith.constant 7 : i32
      %get3A_649 = arith.index_cast %get3A_648 : i32 to index
      %get3A_650 = arith.constant 128 : index
      %get3A_651 = tpu.vector_load %arg9[%get3A_649, %get3A_650] {strides = array<i32>} : memref<16x256xf32, #tpu.memory_space<vmem>>, vector<1x16xf32>,
      %get3A_652 = vector.shape_cast %get3A_651 : vector<1x16xf32> to vector<16xf32>
      %mul3A_653 = vector.broadcast %squeeze3A_56 : f32 to vector<16xf32>
      %mul3A_654 = arith.mulf %mul3A_653, %get3A_652 : vector<16xf32>
      %add3A_655 = arith.addf %add3A_647, %mul3A_654 : vector<16xf32>
      %swap3A_656 = arith.constant 128 : index
      %swap3A_657 = tpu.vector_load %arg11[%swap3A_656] {strides = array<i32>} : memref<256xf32, #tpu.memory_space<vmem>>, vector<16xf32>,
      %swap3A_658 = vector.shape_cast %swap3A_657 : vector<16xf32> to vector<16xf32>
      %swap3A_659 = vector.shape_cast %add3A_655 : vector<16xf32> to vector<16xf32>
      tpu.vector_store %arg11[%swap3A_656], %swap3A_659 {strides = array<i32>} : memref<256xf32, #tpu.memory_space<vmem>>, vector<16xf32>,
      %get3A_660 = arith.constant 0 : i32
      %get3A_661 = arith.index_cast %get3A_660 : i32 to index
      %get3A_662 = arith.constant 144 : index
      %get3A_663 = tpu.vector_load %arg9[%get3A_661, %get3A_662] {strides = array<i32>} : memref<16x256xf32, #tpu.memory_space<vmem>>, vector<1x16xf32>,
      %get3A_664 = vector.shape_cast %get3A_663 : vector<1x16xf32> to vector<16xf32>
      %mul3A_665 = vector.broadcast %squeeze3A_42 : f32 to vector<16xf32>
      %mul3A_666 = arith.mulf %mul3A_665, %get3A_664 : vector<16xf32>
      %get3A_667 = arith.constant 1 : i32
      %get3A_668 = arith.index_cast %get3A_667 : i32 to index
      %get3A_669 = arith.constant 144 : index
      %get3A_670 = tpu.vector_load %arg9[%get3A_668, %get3A_669] {strides = array<i32>} : memref<16x256xf32, #tpu.memory_space<vmem>>, vector<1x16xf32>,
      %get3A_671 = vector.shape_cast %get3A_670 : vector<1x16xf32> to vector<16xf32>
      %mul3A_672 = vector.broadcast %squeeze3A_44 : f32 to vector<16xf32>
      %mul3A_673 = arith.mulf %mul3A_672, %get3A_671 : vector<16xf32>
      %add3A_674 = arith.addf %mul3A_666, %mul3A_673 : vector<16xf32>
      %get3A_675 = arith.constant 2 : i32
      %get3A_676 = arith.index_cast %get3A_675 : i32 to index
      %get3A_677 = arith.constant 144 : index
      %get3A_678 = tpu.vector_load %arg9[%get3A_676, %get3A_677] {strides = array<i32>} : memref<16x256xf32, #tpu.memory_space<vmem>>, vector<1x16xf32>,
      %get3A_679 = vector.shape_cast %get3A_678 : vector<1x16xf32> to vector<16xf32>
      %mul3A_680 = vector.broadcast %squeeze3A_46 : f32 to vector<16xf32>
      %mul3A_681 = arith.mulf %mul3A_680, %get3A_679 : vector<16xf32>
      %add3A_682 = arith.addf %add3A_674, %mul3A_681 : vector<16xf32>
      %get3A_683 = arith.constant 3 : i32
      %get3A_684 = arith.index_cast %get3A_683 : i32 to index
      %get3A_685 = arith.constant 144 : index
      %get3A_686 = tpu.vector_load %arg9[%get3A_684, %get3A_685] {strides = array<i32>} : memref<16x256xf32, #tpu.memory_space<vmem>>, vector<1x16xf32>,
      %get3A_687 = vector.shape_cast %get3A_686 : vector<1x16xf32> to vector<16xf32>
      %mul3A_688 = vector.broadcast %squeeze3A_48 : f32 to vector<16xf32>
      %mul3A_689 = arith.mulf %mul3A_688, %get3A_687 : vector<16xf32>
      %add3A_690 = arith.addf %add3A_682, %mul3A_689 : vector<16xf32>
      %get3A_691 = arith.constant 4 : i32
      %get3A_692 = arith.index_cast %get3A_691 : i32 to index
      %get3A_693 = arith.constant 144 : index
      %get3A_694 = tpu.vector_load %arg9[%get3A_692, %get3A_693] {strides = array<i32>} : memref<16x256xf32, #tpu.memory_space<vmem>>, vector<1x16xf32>,
      %get3A_695 = vector.shape_cast %get3A_694 : vector<1x16xf32> to vector<16xf32>
      %mul3A_696 = vector.broadcast %squeeze3A_50 : f32 to vector<16xf32>
      %mul3A_697 = arith.mulf %mul3A_696, %get3A_695 : vector<16xf32>
      %add3A_698 = arith.addf %add3A_690, %mul3A_697 : vector<16xf32>
      %get3A_699 = arith.constant 5 : i32
      %get3A_700 = arith.index_cast %get3A_699 : i32 to index
      %get3A_701 = arith.constant 144 : index
      %get3A_702 = tpu.vector_load %arg9[%get3A_700, %get3A_701] {strides = array<i32>} : memref<16x256xf32, #tpu.memory_space<vmem>>, vector<1x16xf32>,
      %get3A_703 = vector.shape_cast %get3A_702 : vector<1x16xf32> to vector<16xf32>
      %mul3A_704 = vector.broadcast %squeeze3A_52 : f32 to vector<16xf32>
      %mul3A_705 = arith.mulf %mul3A_704, %get3A_703 : vector<16xf32>
      %add3A_706 = arith.addf %add3A_698, %mul3A_705 : vector<16xf32>
      %get3A_707 = arith.constant 6 : i32
      %get3A_708 = arith.index_cast %get3A_707 : i32 to index
      %get3A_709 = arith.constant 144 : index
      %get3A_710 = tpu.vector_load %arg9[%get3A_708, %get3A_709] {strides = array<i32>} : memref<16x256xf32, #tpu.memory_space<vmem>>, vector<1x16xf32>,
      %get3A_711 = vector.shape_cast %get3A_710 : vector<1x16xf32> to vector<16xf32>
      %mul3A_712 = vector.broadcast %squeeze3A_54 : f32 to vector<16xf32>
      %mul3A_713 = arith.mulf %mul3A_712, %get3A_711 : vector<16xf32>
      %add3A_714 = arith.addf %add3A_706, %mul3A_713 : vector<16xf32>
      %get3A_715 = arith.constant 7 : i32
      %get3A_716 = arith.index_cast %get3A_715 : i32 to index
      %get3A_717 = arith.constant 144 : index
      %get3A_718 = tpu.vector_load %arg9[%get3A_716, %get3A_717] {strides = array<i32>} : memref<16x256xf32, #tpu.memory_space<vmem>>, vector<1x16xf32>,
      %get3A_719 = vector.shape_cast %get3A_718 : vector<1x16xf32> to vector<16xf32>
      %mul3A_720 = vector.broadcast %squeeze3A_56 : f32 to vector<16xf32>
      %mul3A_721 = arith.mulf %mul3A_720, %get3A_719 : vector<16xf32>
      %add3A_722 = arith.addf %add3A_714, %mul3A_721 : vector<16xf32>
      %swap3A_723 = arith.constant 144 : index
      %swap3A_724 = tpu.vector_load %arg11[%swap3A_723] {strides = array<i32>} : memref<256xf32, #tpu.memory_space<vmem>>, vector<16xf32>,
      %swap3A_725 = vector.shape_cast %swap3A_724 : vector<16xf32> to vector<16xf32>
      %swap3A_726 = vector.shape_cast %add3A_722 : vector<16xf32> to vector<16xf32>
      tpu.vector_store %arg11[%swap3A_723], %swap3A_726 {strides = array<i32>} : memref<256xf32, #tpu.memory_space<vmem>>, vector<16xf32>,
      %get3A_727 = arith.constant 0 : i32
      %get3A_728 = arith.index_cast %get3A_727 : i32 to index
      %get3A_729 = arith.constant 160 : index
      %get3A_730 = tpu.vector_load %arg9[%get3A_728, %get3A_729] {strides = array<i32>} : memref<16x256xf32, #tpu.memory_space<vmem>>, vector<1x16xf32>,
      %get3A_731 = vector.shape_cast %get3A_730 : vector<1x16xf32> to vector<16xf32>
      %mul3A_732 = vector.broadcast %squeeze3A_42 : f32 to vector<16xf32>
      %mul3A_733 = arith.mulf %mul3A_732, %get3A_731 : vector<16xf32>
      %get3A_734 = arith.constant 1 : i32
      %get3A_735 = arith.index_cast %get3A_734 : i32 to index
      %get3A_736 = arith.constant 160 : index
      %get3A_737 = tpu.vector_load %arg9[%get3A_735, %get3A_736] {strides = array<i32>} : memref<16x256xf32, #tpu.memory_space<vmem>>, vector<1x16xf32>,
      %get3A_738 = vector.shape_cast %get3A_737 : vector<1x16xf32> to vector<16xf32>
      %mul3A_739 = vector.broadcast %squeeze3A_44 : f32 to vector<16xf32>
      %mul3A_740 = arith.mulf %mul3A_739, %get3A_738 : vector<16xf32>
      %add3A_741 = arith.addf %mul3A_733, %mul3A_740 : vector<16xf32>
      %get3A_742 = arith.constant 2 : i32
      %get3A_743 = arith.index_cast %get3A_742 : i32 to index
      %get3A_744 = arith.constant 160 : index
      %get3A_745 = tpu.vector_load %arg9[%get3A_743, %get3A_744] {strides = array<i32>} : memref<16x256xf32, #tpu.memory_space<vmem>>, vector<1x16xf32>,
      %get3A_746 = vector.shape_cast %get3A_745 : vector<1x16xf32> to vector<16xf32>
      %mul3A_747 = vector.broadcast %squeeze3A_46 : f32 to vector<16xf32>
      %mul3A_748 = arith.mulf %mul3A_747, %get3A_746 : vector<16xf32>
      %add3A_749 = arith.addf %add3A_741, %mul3A_748 : vector<16xf32>
      %get3A_750 = arith.constant 3 : i32
      %get3A_751 = arith.index_cast %get3A_750 : i32 to index
      %get3A_752 = arith.constant 160 : index
      %get3A_753 = tpu.vector_load %arg9[%get3A_751, %get3A_752] {strides = array<i32>} : memref<16x256xf32, #tpu.memory_space<vmem>>, vector<1x16xf32>,
      %get3A_754 = vector.shape_cast %get3A_753 : vector<1x16xf32> to vector<16xf32>
      %mul3A_755 = vector.broadcast %squeeze3A_48 : f32 to vector<16xf32>
      %mul3A_756 = arith.mulf %mul3A_755, %get3A_754 : vector<16xf32>
      %add3A_757 = arith.addf %add3A_749, %mul3A_756 : vector<16xf32>
      %get3A_758 = arith.constant 4 : i32
      %get3A_759 = arith.index_cast %get3A_758 : i32 to index
      %get3A_760 = arith.constant 160 : index
      %get3A_761 = tpu.vector_load %arg9[%get3A_759, %get3A_760] {strides = array<i32>} : memref<16x256xf32, #tpu.memory_space<vmem>>, vector<1x16xf32>,
      %get3A_762 = vector.shape_cast %get3A_761 : vector<1x16xf32> to vector<16xf32>
      %mul3A_763 = vector.broadcast %squeeze3A_50 : f32 to vector<16xf32>
      %mul3A_764 = arith.mulf %mul3A_763, %get3A_762 : vector<16xf32>
      %add3A_765 = arith.addf %add3A_757, %mul3A_764 : vector<16xf32>
      %get3A_766 = arith.constant 5 : i32
      %get3A_767 = arith.index_cast %get3A_766 : i32 to index
      %get3A_768 = arith.constant 160 : index
      %get3A_769 = tpu.vector_load %arg9[%get3A_767, %get3A_768] {strides = array<i32>} : memref<16x256xf32, #tpu.memory_space<vmem>>, vector<1x16xf32>,
      %get3A_770 = vector.shape_cast %get3A_769 : vector<1x16xf32> to vector<16xf32>
      %mul3A_771 = vector.broadcast %squeeze3A_52 : f32 to vector<16xf32>
      %mul3A_772 = arith.mulf %mul3A_771, %get3A_770 : vector<16xf32>
      %add3A_773 = arith.addf %add3A_765, %mul3A_772 : vector<16xf32>
      %get3A_774 = arith.constant 6 : i32
      %get3A_775 = arith.index_cast %get3A_774 : i32 to index
      %get3A_776 = arith.constant 160 : index
      %get3A_777 = tpu.vector_load %arg9[%get3A_775, %get3A_776] {strides = array<i32>} : memref<16x256xf32, #tpu.memory_space<vmem>>, vector<1x16xf32>,
      %get3A_778 = vector.shape_cast %get3A_777 : vector<1x16xf32> to vector<16xf32>
      %mul3A_779 = vector.broadcast %squeeze3A_54 : f32 to vector<16xf32>
      %mul3A_780 = arith.mulf %mul3A_779, %get3A_778 : vector<16xf32>
      %add3A_781 = arith.addf %add3A_773, %mul3A_780 : vector<16xf32>
      %get3A_782 = arith.constant 7 : i32
      %get3A_783 = arith.index_cast %get3A_782 : i32 to index
      %get3A_784 = arith.constant 160 : index
      %get3A_785 = tpu.vector_load %arg9[%get3A_783, %get3A_784] {strides = array<i32>} : memref<16x256xf32, #tpu.memory_space<vmem>>, vector<1x16xf32>,
      %get3A_786 = vector.shape_cast %get3A_785 : vector<1x16xf32> to vector<16xf32>
      %mul3A_787 = vector.broadcast %squeeze3A_56 : f32 to vector<16xf32>
      %mul3A_788 = arith.mulf %mul3A_787, %get3A_786 : vector<16xf32>
      %add3A_789 = arith.addf %add3A_781, %mul3A_788 : vector<16xf32>
      %swap3A_790 = arith.constant 160 : index
      %swap3A_791 = tpu.vector_load %arg11[%swap3A_790] {strides = array<i32>} : memref<256xf32, #tpu.memory_space<vmem>>, vector<16xf32>,
      %swap3A_792 = vector.shape_cast %swap3A_791 : vector<16xf32> to vector<16xf32>
      %swap3A_793 = vector.shape_cast %add3A_789 : vector<16xf32> to vector<16xf32>
      tpu.vector_store %arg11[%swap3A_790], %swap3A_793 {strides = array<i32>} : memref<256xf32, #tpu.memory_space<vmem>>, vector<16xf32>,
      %get3A_794 = arith.constant 0 : i32
      %get3A_795 = arith.index_cast %get3A_794 : i32 to index
      %get3A_796 = arith.constant 176 : index
      %get3A_797 = tpu.vector_load %arg9[%get3A_795, %get3A_796] {strides = array<i32>} : memref<16x256xf32, #tpu.memory_space<vmem>>, vector<1x16xf32>,
      %get3A_798 = vector.shape_cast %get3A_797 : vector<1x16xf32> to vector<16xf32>
      %mul3A_799 = vector.broadcast %squeeze3A_42 : f32 to vector<16xf32>
      %mul3A_800 = arith.mulf %mul3A_799, %get3A_798 : vector<16xf32>
      %get3A_801 = arith.constant 1 : i32
      %get3A_802 = arith.index_cast %get3A_801 : i32 to index
      %get3A_803 = arith.constant 176 : index
      %get3A_804 = tpu.vector_load %arg9[%get3A_802, %get3A_803] {strides = array<i32>} : memref<16x256xf32, #tpu.memory_space<vmem>>, vector<1x16xf32>,
      %get3A_805 = vector.shape_cast %get3A_804 : vector<1x16xf32> to vector<16xf32>
      %mul3A_806 = vector.broadcast %squeeze3A_44 : f32 to vector<16xf32>
      %mul3A_807 = arith.mulf %mul3A_806, %get3A_805 : vector<16xf32>
      %add3A_808 = arith.addf %mul3A_800, %mul3A_807 : vector<16xf32>
      %get3A_809 = arith.constant 2 : i32
      %get3A_810 = arith.index_cast %get3A_809 : i32 to index
      %get3A_811 = arith.constant 176 : index
      %get3A_812 = tpu.vector_load %arg9[%get3A_810, %get3A_811] {strides = array<i32>} : memref<16x256xf32, #tpu.memory_space<vmem>>, vector<1x16xf32>,
      %get3A_813 = vector.shape_cast %get3A_812 : vector<1x16xf32> to vector<16xf32>
      %mul3A_814 = vector.broadcast %squeeze3A_46 : f32 to vector<16xf32>
      %mul3A_815 = arith.mulf %mul3A_814, %get3A_813 : vector<16xf32>
      %add3A_816 = arith.addf %add3A_808, %mul3A_815 : vector<16xf32>
      %get3A_817 = arith.constant 3 : i32
      %get3A_818 = arith.index_cast %get3A_817 : i32 to index
      %get3A_819 = arith.constant 176 : index
      %get3A_820 = tpu.vector_load %arg9[%get3A_818, %get3A_819] {strides = array<i32>} : memref<16x256xf32, #tpu.memory_space<vmem>>, vector<1x16xf32>,
      %get3A_821 = vector.shape_cast %get3A_820 : vector<1x16xf32> to vector<16xf32>
      %mul3A_822 = vector.broadcast %squeeze3A_48 : f32 to vector<16xf32>
      %mul3A_823 = arith.mulf %mul3A_822, %get3A_821 : vector<16xf32>
      %add3A_824 = arith.addf %add3A_816, %mul3A_823 : vector<16xf32>
      %get3A_825 = arith.constant 4 : i32
      %get3A_826 = arith.index_cast %get3A_825 : i32 to index
      %get3A_827 = arith.constant 176 : index
      %get3A_828 = tpu.vector_load %arg9[%get3A_826, %get3A_827] {strides = array<i32>} : memref<16x256xf32, #tpu.memory_space<vmem>>, vector<1x16xf32>,
      %get3A_829 = vector.shape_cast %get3A_828 : vector<1x16xf32> to vector<16xf32>
      %mul3A_830 = vector.broadcast %squeeze3A_50 : f32 to vector<16xf32>
      %mul3A_831 = arith.mulf %mul3A_830, %get3A_829 : vector<16xf32>
      %add3A_832 = arith.addf %add3A_824, %mul3A_831 : vector<16xf32>
      %get3A_833 = arith.constant 5 : i32
      %get3A_834 = arith.index_cast %get3A_833 : i32 to index
      %get3A_835 = arith.constant 176 : index
      %get3A_836 = tpu.vector_load %arg9[%get3A_834, %get3A_835] {strides = array<i32>} : memref<16x256xf32, #tpu.memory_space<vmem>>, vector<1x16xf32>,
      %get3A_837 = vector.shape_cast %get3A_836 : vector<1x16xf32> to vector<16xf32>
      %mul3A_838 = vector.broadcast %squeeze3A_52 : f32 to vector<16xf32>
      %mul3A_839 = arith.mulf %mul3A_838, %get3A_837 : vector<16xf32>
      %add3A_840 = arith.addf %add3A_832, %mul3A_839 : vector<16xf32>
      %get3A_841 = arith.constant 6 : i32
      %get3A_842 = arith.index_cast %get3A_841 : i32 to index
      %get3A_843 = arith.constant 176 : index
      %get3A_844 = tpu.vector_load %arg9[%get3A_842, %get3A_843] {strides = array<i32>} : memref<16x256xf32, #tpu.memory_space<vmem>>, vector<1x16xf32>,
      %get3A_845 = vector.shape_cast %get3A_844 : vector<1x16xf32> to vector<16xf32>
      %mul3A_846 = vector.broadcast %squeeze3A_54 : f32 to vector<16xf32>
      %mul3A_847 = arith.mulf %mul3A_846, %get3A_845 : vector<16xf32>
      %add3A_848 = arith.addf %add3A_840, %mul3A_847 : vector<16xf32>
      %get3A_849 = arith.constant 7 : i32
      %get3A_850 = arith.index_cast %get3A_849 : i32 to index
      %get3A_851 = arith.constant 176 : index
      %get3A_852 = tpu.vector_load %arg9[%get3A_850, %get3A_851] {strides = array<i32>} : memref<16x256xf32, #tpu.memory_space<vmem>>, vector<1x16xf32>,
      %get3A_853 = vector.shape_cast %get3A_852 : vector<1x16xf32> to vector<16xf32>
      %mul3A_854 = vector.broadcast %squeeze3A_56 : f32 to vector<16xf32>
      %mul3A_855 = arith.mulf %mul3A_854, %get3A_853 : vector<16xf32>
      %add3A_856 = arith.addf %add3A_848, %mul3A_855 : vector<16xf32>
      %swap3A_857 = arith.constant 176 : index
      %swap3A_858 = tpu.vector_load %arg11[%swap3A_857] {strides = array<i32>} : memref<256xf32, #tpu.memory_space<vmem>>, vector<16xf32>,
      %swap3A_859 = vector.shape_cast %swap3A_858 : vector<16xf32> to vector<16xf32>
      %swap3A_860 = vector.shape_cast %add3A_856 : vector<16xf32> to vector<16xf32>
      tpu.vector_store %arg11[%swap3A_857], %swap3A_860 {strides = array<i32>} : memref<256xf32, #tpu.memory_space<vmem>>, vector<16xf32>,
      %get3A_861 = arith.constant 0 : i32
      %get3A_862 = arith.index_cast %get3A_861 : i32 to index
      %get3A_863 = arith.constant 192 : index
      %get3A_864 = tpu.vector_load %arg9[%get3A_862, %get3A_863] {strides = array<i32>} : memref<16x256xf32, #tpu.memory_space<vmem>>, vector<1x16xf32>,
      %get3A_865 = vector.shape_cast %get3A_864 : vector<1x16xf32> to vector<16xf32>
      %mul3A_866 = vector.broadcast %squeeze3A_42 : f32 to vector<16xf32>
      %mul3A_867 = arith.mulf %mul3A_866, %get3A_865 : vector<16xf32>
      %get3A_868 = arith.constant 1 : i32
      %get3A_869 = arith.index_cast %get3A_868 : i32 to index
      %get3A_870 = arith.constant 192 : index
      %get3A_871 = tpu.vector_load %arg9[%get3A_869, %get3A_870] {strides = array<i32>} : memref<16x256xf32, #tpu.memory_space<vmem>>, vector<1x16xf32>,
      %get3A_872 = vector.shape_cast %get3A_871 : vector<1x16xf32> to vector<16xf32>
      %mul3A_873 = vector.broadcast %squeeze3A_44 : f32 to vector<16xf32>
      %mul3A_874 = arith.mulf %mul3A_873, %get3A_872 : vector<16xf32>
      %add3A_875 = arith.addf %mul3A_867, %mul3A_874 : vector<16xf32>
      %get3A_876 = arith.constant 2 : i32
      %get3A_877 = arith.index_cast %get3A_876 : i32 to index
      %get3A_878 = arith.constant 192 : index
      %get3A_879 = tpu.vector_load %arg9[%get3A_877, %get3A_878] {strides = array<i32>} : memref<16x256xf32, #tpu.memory_space<vmem>>, vector<1x16xf32>,
      %get3A_880 = vector.shape_cast %get3A_879 : vector<1x16xf32> to vector<16xf32>
      %mul3A_881 = vector.broadcast %squeeze3A_46 : f32 to vector<16xf32>
      %mul3A_882 = arith.mulf %mul3A_881, %get3A_880 : vector<16xf32>
      %add3A_883 = arith.addf %add3A_875, %mul3A_882 : vector<16xf32>
      %get3A_884 = arith.constant 3 : i32
      %get3A_885 = arith.index_cast %get3A_884 : i32 to index
      %get3A_886 = arith.constant 192 : index
      %get3A_887 = tpu.vector_load %arg9[%get3A_885, %get3A_886] {strides = array<i32>} : memref<16x256xf32, #tpu.memory_space<vmem>>, vector<1x16xf32>,
      %get3A_888 = vector.shape_cast %get3A_887 : vector<1x16xf32> to vector<16xf32>
      %mul3A_889 = vector.broadcast %squeeze3A_48 : f32 to vector<16xf32>
      %mul3A_890 = arith.mulf %mul3A_889, %get3A_888 : vector<16xf32>
      %add3A_891 = arith.addf %add3A_883, %mul3A_890 : vector<16xf32>
      %get3A_892 = arith.constant 4 : i32
      %get3A_893 = arith.index_cast %get3A_892 : i32 to index
      %get3A_894 = arith.constant 192 : index
      %get3A_895 = tpu.vector_load %arg9[%get3A_893, %get3A_894] {strides = array<i32>} : memref<16x256xf32, #tpu.memory_space<vmem>>, vector<1x16xf32>,
      %get3A_896 = vector.shape_cast %get3A_895 : vector<1x16xf32> to vector<16xf32>
      %mul3A_897 = vector.broadcast %squeeze3A_50 : f32 to vector<16xf32>
      %mul3A_898 = arith.mulf %mul3A_897, %get3A_896 : vector<16xf32>
      %add3A_899 = arith.addf %add3A_891, %mul3A_898 : vector<16xf32>
      %get3A_900 = arith.constant 5 : i32
      %get3A_901 = arith.index_cast %get3A_900 : i32 to index
      %get3A_902 = arith.constant 192 : index
      %get3A_903 = tpu.vector_load %arg9[%get3A_901, %get3A_902] {strides = array<i32>} : memref<16x256xf32, #tpu.memory_space<vmem>>, vector<1x16xf32>,
      %get3A_904 = vector.shape_cast %get3A_903 : vector<1x16xf32> to vector<16xf32>
      %mul3A_905 = vector.broadcast %squeeze3A_52 : f32 to vector<16xf32>
      %mul3A_906 = arith.mulf %mul3A_905, %get3A_904 : vector<16xf32>
      %add3A_907 = arith.addf %add3A_899, %mul3A_906 : vector<16xf32>
      %get3A_908 = arith.constant 6 : i32
      %get3A_909 = arith.index_cast %get3A_908 : i32 to index
      %get3A_910 = arith.constant 192 : index
      %get3A_911 = tpu.vector_load %arg9[%get3A_909, %get3A_910] {strides = array<i32>} : memref<16x256xf32, #tpu.memory_space<vmem>>, vector<1x16xf32>,
      %get3A_912 = vector.shape_cast %get3A_911 : vector<1x16xf32> to vector<16xf32>
      %mul3A_913 = vector.broadcast %squeeze3A_54 : f32 to vector<16xf32>
      %mul3A_914 = arith.mulf %mul3A_913, %get3A_912 : vector<16xf32>
      %add3A_915 = arith.addf %add3A_907, %mul3A_914 : vector<16xf32>
      %get3A_916 = arith.constant 7 : i32
      %get3A_917 = arith.index_cast %get3A_916 : i32 to index
      %get3A_918 = arith.constant 192 : index
      %get3A_919 = tpu.vector_load %arg9[%get3A_917, %get3A_918] {strides = array<i32>} : memref<16x256xf32, #tpu.memory_space<vmem>>, vector<1x16xf32>,
      %get3A_920 = vector.shape_cast %get3A_919 : vector<1x16xf32> to vector<16xf32>
      %mul3A_921 = vector.broadcast %squeeze3A_56 : f32 to vector<16xf32>
      %mul3A_922 = arith.mulf %mul3A_921, %get3A_920 : vector<16xf32>
      %add3A_923 = arith.addf %add3A_915, %mul3A_922 : vector<16xf32>
      %swap3A_924 = arith.constant 192 : index
      %swap3A_925 = tpu.vector_load %arg11[%swap3A_924] {strides = array<i32>} : memref<256xf32, #tpu.memory_space<vmem>>, vector<16xf32>,
      %swap3A_926 = vector.shape_cast %swap3A_925 : vector<16xf32> to vector<16xf32>
      %swap3A_927 = vector.shape_cast %add3A_923 : vector<16xf32> to vector<16xf32>
      tpu.vector_store %arg11[%swap3A_924], %swap3A_927 {strides = array<i32>} : memref<256xf32, #tpu.memory_space<vmem>>, vector<16xf32>,
      %get3A_928 = arith.constant 0 : i32
      %get3A_929 = arith.index_cast %get3A_928 : i32 to index
      %get3A_930 = arith.constant 208 : index
      %get3A_931 = tpu.vector_load %arg9[%get3A_929, %get3A_930] {strides = array<i32>} : memref<16x256xf32, #tpu.memory_space<vmem>>, vector<1x16xf32>,
      %get3A_932 = vector.shape_cast %get3A_931 : vector<1x16xf32> to vector<16xf32>
      %mul3A_933 = vector.broadcast %squeeze3A_42 : f32 to vector<16xf32>
      %mul3A_934 = arith.mulf %mul3A_933, %get3A_932 : vector<16xf32>
      %get3A_935 = arith.constant 1 : i32
      %get3A_936 = arith.index_cast %get3A_935 : i32 to index
      %get3A_937 = arith.constant 208 : index
      %get3A_938 = tpu.vector_load %arg9[%get3A_936, %get3A_937] {strides = array<i32>} : memref<16x256xf32, #tpu.memory_space<vmem>>, vector<1x16xf32>,
      %get3A_939 = vector.shape_cast %get3A_938 : vector<1x16xf32> to vector<16xf32>
      %mul3A_940 = vector.broadcast %squeeze3A_44 : f32 to vector<16xf32>
      %mul3A_941 = arith.mulf %mul3A_940, %get3A_939 : vector<16xf32>
      %add3A_942 = arith.addf %mul3A_934, %mul3A_941 : vector<16xf32>
      %get3A_943 = arith.constant 2 : i32
      %get3A_944 = arith.index_cast %get3A_943 : i32 to index
      %get3A_945 = arith.constant 208 : index
      %get3A_946 = tpu.vector_load %arg9[%get3A_944, %get3A_945] {strides = array<i32>} : memref<16x256xf32, #tpu.memory_space<vmem>>, vector<1x16xf32>,
      %get3A_947 = vector.shape_cast %get3A_946 : vector<1x16xf32> to vector<16xf32>
      %mul3A_948 = vector.broadcast %squeeze3A_46 : f32 to vector<16xf32>
      %mul3A_949 = arith.mulf %mul3A_948, %get3A_947 : vector<16xf32>
      %add3A_950 = arith.addf %add3A_942, %mul3A_949 : vector<16xf32>
      %get3A_951 = arith.constant 3 : i32
      %get3A_952 = arith.index_cast %get3A_951 : i32 to index
      %get3A_953 = arith.constant 208 : index
      %get3A_954 = tpu.vector_load %arg9[%get3A_952, %get3A_953] {strides = array<i32>} : memref<16x256xf32, #tpu.memory_space<vmem>>, vector<1x16xf32>,
      %get3A_955 = vector.shape_cast %get3A_954 : vector<1x16xf32> to vector<16xf32>
      %mul3A_956 = vector.broadcast %squeeze3A_48 : f32 to vector<16xf32>
      %mul3A_957 = arith.mulf %mul3A_956, %get3A_955 : vector<16xf32>
      %add3A_958 = arith.addf %add3A_950, %mul3A_957 : vector<16xf32>
      %get3A_959 = arith.constant 4 : i32
      %get3A_960 = arith.index_cast %get3A_959 : i32 to index
      %get3A_961 = arith.constant 208 : index
      %get3A_962 = tpu.vector_load %arg9[%get3A_960, %get3A_961] {strides = array<i32>} : memref<16x256xf32, #tpu.memory_space<vmem>>, vector<1x16xf32>,
      %get3A_963 = vector.shape_cast %get3A_962 : vector<1x16xf32> to vector<16xf32>
      %mul3A_964 = vector.broadcast %squeeze3A_50 : f32 to vector<16xf32>
      %mul3A_965 = arith.mulf %mul3A_964, %get3A_963 : vector<16xf32>
      %add3A_966 = arith.addf %add3A_958, %mul3A_965 : vector<16xf32>
      %get3A_967 = arith.constant 5 : i32
      %get3A_968 = arith.index_cast %get3A_967 : i32 to index
      %get3A_969 = arith.constant 208 : index
      %get3A_970 = tpu.vector_load %arg9[%get3A_968, %get3A_969] {strides = array<i32>} : memref<16x256xf32, #tpu.memory_space<vmem>>, vector<1x16xf32>,
      %get3A_971 = vector.shape_cast %get3A_970 : vector<1x16xf32> to vector<16xf32>
      %mul3A_972 = vector.broadcast %squeeze3A_52 : f32 to vector<16xf32>
      %mul3A_973 = arith.mulf %mul3A_972, %get3A_971 : vector<16xf32>
      %add3A_974 = arith.addf %add3A_966, %mul3A_973 : vector<16xf32>
      %get3A_975 = arith.constant 6 : i32
      %get3A_976 = arith.index_cast %get3A_975 : i32 to index
      %get3A_977 = arith.constant 208 : index
      %get3A_978 = tpu.vector_load %arg9[%get3A_976, %get3A_977] {strides = array<i32>} : memref<16x256xf32, #tpu.memory_space<vmem>>, vector<1x16xf32>,
      %get3A_979 = vector.shape_cast %get3A_978 : vector<1x16xf32> to vector<16xf32>
      %mul3A_980 = vector.broadcast %squeeze3A_54 : f32 to vector<16xf32>
      %mul3A_981 = arith.mulf %mul3A_980, %get3A_979 : vector<16xf32>
      %add3A_982 = arith.addf %add3A_974, %mul3A_981 : vector<16xf32>
      %get3A_983 = arith.constant 7 : i32
      %get3A_984 = arith.index_cast %get3A_983 : i32 to index
      %get3A_985 = arith.constant 208 : index
      %get3A_986 = tpu.vector_load %arg9[%get3A_984, %get3A_985] {strides = array<i32>} : memref<16x256xf32, #tpu.memory_space<vmem>>, vector<1x16xf32>,
      %get3A_987 = vector.shape_cast %get3A_986 : vector<1x16xf32> to vector<16xf32>
      %mul3A_988 = vector.broadcast %squeeze3A_56 : f32 to vector<16xf32>
      %mul3A_989 = arith.mulf %mul3A_988, %get3A_987 : vector<16xf32>
      %add3A_990 = arith.addf %add3A_982, %mul3A_989 : vector<16xf32>
      %swap3A_991 = arith.constant 208 : index
      %swap3A_992 = tpu.vector_load %arg11[%swap3A_991] {strides = array<i32>} : memref<256xf32, #tpu.memory_space<vmem>>, vector<16xf32>,
      %swap3A_993 = vector.shape_cast %swap3A_992 : vector<16xf32> to vector<16xf32>
      %swap3A_994 = vector.shape_cast %add3A_990 : vector<16xf32> to vector<16xf32>
      tpu.vector_store %arg11[%swap3A_991], %swap3A_994 {strides = array<i32>} : memref<256xf32, #tpu.memory_space<vmem>>, vector<16xf32>,
      %get3A_995 = arith.constant 0 : i32
      %get3A_996 = arith.index_cast %get3A_995 : i32 to index
      %get3A_997 = arith.constant 224 : index
      %get3A_998 = tpu.vector_load %arg9[%get3A_996, %get3A_997] {strides = array<i32>} : memref<16x256xf32, #tpu.memory_space<vmem>>, vector<1x16xf32>,
      %get3A_999 = vector.shape_cast %get3A_998 : vector<1x16xf32> to vector<16xf32>
      %mul3A_1000 = vector.broadcast %squeeze3A_42 : f32 to vector<16xf32>
      %mul3A_1001 = arith.mulf %mul3A_1000, %get3A_999 : vector<16xf32>
      %get3A_1002 = arith.constant 1 : i32
      %get3A_1003 = arith.index_cast %get3A_1002 : i32 to index
      %get3A_1004 = arith.constant 224 : index
      %get3A_1005 = tpu.vector_load %arg9[%get3A_1003, %get3A_1004] {strides = array<i32>} : memref<16x256xf32, #tpu.memory_space<vmem>>, vector<1x16xf32>,
      %get3A_1006 = vector.shape_cast %get3A_1005 : vector<1x16xf32> to vector<16xf32>
      %mul3A_1007 = vector.broadcast %squeeze3A_44 : f32 to vector<16xf32>
      %mul3A_1008 = arith.mulf %mul3A_1007, %get3A_1006 : vector<16xf32>
      %add3A_1009 = arith.addf %mul3A_1001, %mul3A_1008 : vector<16xf32>
      %get3A_1010 = arith.constant 2 : i32
      %get3A_1011 = arith.index_cast %get3A_1010 : i32 to index
      %get3A_1012 = arith.constant 224 : index
      %get3A_1013 = tpu.vector_load %arg9[%get3A_1011, %get3A_1012] {strides = array<i32>} : memref<16x256xf32, #tpu.memory_space<vmem>>, vector<1x16xf32>,
      %get3A_1014 = vector.shape_cast %get3A_1013 : vector<1x16xf32> to vector<16xf32>
      %mul3A_1015 = vector.broadcast %squeeze3A_46 : f32 to vector<16xf32>
      %mul3A_1016 = arith.mulf %mul3A_1015, %get3A_1014 : vector<16xf32>
      %add3A_1017 = arith.addf %add3A_1009, %mul3A_1016 : vector<16xf32>
      %get3A_1018 = arith.constant 3 : i32
      %get3A_1019 = arith.index_cast %get3A_1018 : i32 to index
      %get3A_1020 = arith.constant 224 : index
      %get3A_1021 = tpu.vector_load %arg9[%get3A_1019, %get3A_1020] {strides = array<i32>} : memref<16x256xf32, #tpu.memory_space<vmem>>, vector<1x16xf32>,
      %get3A_1022 = vector.shape_cast %get3A_1021 : vector<1x16xf32> to vector<16xf32>
      %mul3A_1023 = vector.broadcast %squeeze3A_48 : f32 to vector<16xf32>
      %mul3A_1024 = arith.mulf %mul3A_1023, %get3A_1022 : vector<16xf32>
      %add3A_1025 = arith.addf %add3A_1017, %mul3A_1024 : vector<16xf32>
      %get3A_1026 = arith.constant 4 : i32
      %get3A_1027 = arith.index_cast %get3A_1026 : i32 to index
      %get3A_1028 = arith.constant 224 : index
      %get3A_1029 = tpu.vector_load %arg9[%get3A_1027, %get3A_1028] {strides = array<i32>} : memref<16x256xf32, #tpu.memory_space<vmem>>, vector<1x16xf32>,
      %get3A_1030 = vector.shape_cast %get3A_1029 : vector<1x16xf32> to vector<16xf32>
      %mul3A_1031 = vector.broadcast %squeeze3A_50 : f32 to vector<16xf32>
      %mul3A_1032 = arith.mulf %mul3A_1031, %get3A_1030 : vector<16xf32>
      %add3A_1033 = arith.addf %add3A_1025, %mul3A_1032 : vector<16xf32>
      %get3A_1034 = arith.constant 5 : i32
      %get3A_1035 = arith.index_cast %get3A_1034 : i32 to index
      %get3A_1036 = arith.constant 224 : index
      %get3A_1037 = tpu.vector_load %arg9[%get3A_1035, %get3A_1036] {strides = array<i32>} : memref<16x256xf32, #tpu.memory_space<vmem>>, vector<1x16xf32>,
      %get3A_1038 = vector.shape_cast %get3A_1037 : vector<1x16xf32> to vector<16xf32>
      %mul3A_1039 = vector.broadcast %squeeze3A_52 : f32 to vector<16xf32>
      %mul3A_1040 = arith.mulf %mul3A_1039, %get3A_1038 : vector<16xf32>
      %add3A_1041 = arith.addf %add3A_1033, %mul3A_1040 : vector<16xf32>
      %get3A_1042 = arith.constant 6 : i32
      %get3A_1043 = arith.index_cast %get3A_1042 : i32 to index
      %get3A_1044 = arith.constant 224 : index
      %get3A_1045 = tpu.vector_load %arg9[%get3A_1043, %get3A_1044] {strides = array<i32>} : memref<16x256xf32, #tpu.memory_space<vmem>>, vector<1x16xf32>,
      %get3A_1046 = vector.shape_cast %get3A_1045 : vector<1x16xf32> to vector<16xf32>
      %mul3A_1047 = vector.broadcast %squeeze3A_54 : f32 to vector<16xf32>
      %mul3A_1048 = arith.mulf %mul3A_1047, %get3A_1046 : vector<16xf32>
      %add3A_1049 = arith.addf %add3A_1041, %mul3A_1048 : vector<16xf32>
      %get3A_1050 = arith.constant 7 : i32
      %get3A_1051 = arith.index_cast %get3A_1050 : i32 to index
      %get3A_1052 = arith.constant 224 : index
      %get3A_1053 = tpu.vector_load %arg9[%get3A_1051, %get3A_1052] {strides = array<i32>} : memref<16x256xf32, #tpu.memory_space<vmem>>, vector<1x16xf32>,
      %get3A_1054 = vector.shape_cast %get3A_1053 : vector<1x16xf32> to vector<16xf32>
      %mul3A_1055 = vector.broadcast %squeeze3A_56 : f32 to vector<16xf32>
      %mul3A_1056 = arith.mulf %mul3A_1055, %get3A_1054 : vector<16xf32>
      %add3A_1057 = arith.addf %add3A_1049, %mul3A_1056 : vector<16xf32>
      %swap3A_1058 = arith.constant 224 : index
      %swap3A_1059 = tpu.vector_load %arg11[%swap3A_1058] {strides = array<i32>} : memref<256xf32, #tpu.memory_space<vmem>>, vector<16xf32>,
      %swap3A_1060 = vector.shape_cast %swap3A_1059 : vector<16xf32> to vector<16xf32>
      %swap3A_1061 = vector.shape_cast %add3A_1057 : vector<16xf32> to vector<16xf32>
      tpu.vector_store %arg11[%swap3A_1058], %swap3A_1061 {strides = array<i32>} : memref<256xf32, #tpu.memory_space<vmem>>, vector<16xf32>,
      %get3A_1062 = arith.constant 0 : i32
      %get3A_1063 = arith.index_cast %get3A_1062 : i32 to index
      %get3A_1064 = arith.constant 240 : index
      %get3A_1065 = tpu.vector_load %arg9[%get3A_1063, %get3A_1064] {strides = array<i32>} : memref<16x256xf32, #tpu.memory_space<vmem>>, vector<1x16xf32>,
      %get3A_1066 = vector.shape_cast %get3A_1065 : vector<1x16xf32> to vector<16xf32>
      %mul3A_1067 = vector.broadcast %squeeze3A_42 : f32 to vector<16xf32>
      %mul3A_1068 = arith.mulf %mul3A_1067, %get3A_1066 : vector<16xf32>
      %get3A_1069 = arith.constant 1 : i32
      %get3A_1070 = arith.index_cast %get3A_1069 : i32 to index
      %get3A_1071 = arith.constant 240 : index
      %get3A_1072 = tpu.vector_load %arg9[%get3A_1070, %get3A_1071] {strides = array<i32>} : memref<16x256xf32, #tpu.memory_space<vmem>>, vector<1x16xf32>,
      %get3A_1073 = vector.shape_cast %get3A_1072 : vector<1x16xf32> to vector<16xf32>
      %mul3A_1074 = vector.broadcast %squeeze3A_44 : f32 to vector<16xf32>
      %mul3A_1075 = arith.mulf %mul3A_1074, %get3A_1073 : vector<16xf32>
      %add3A_1076 = arith.addf %mul3A_1068, %mul3A_1075 : vector<16xf32>
      %get3A_1077 = arith.constant 2 : i32
      %get3A_1078 = arith.index_cast %get3A_1077 : i32 to index
      %get3A_1079 = arith.constant 240 : index
      %get3A_1080 = tpu.vector_load %arg9[%get3A_1078, %get3A_1079] {strides = array<i32>} : memref<16x256xf32, #tpu.memory_space<vmem>>, vector<1x16xf32>,
      %get3A_1081 = vector.shape_cast %get3A_1080 : vector<1x16xf32> to vector<16xf32>
      %mul3A_1082 = vector.broadcast %squeeze3A_46 : f32 to vector<16xf32>
      %mul3A_1083 = arith.mulf %mul3A_1082, %get3A_1081 : vector<16xf32>
      %add3A_1084 = arith.addf %add3A_1076, %mul3A_1083 : vector<16xf32>
      %get3A_1085 = arith.constant 3 : i32
      %get3A_1086 = arith.index_cast %get3A_1085 : i32 to index
      %get3A_1087 = arith.constant 240 : index
      %get3A_1088 = tpu.vector_load %arg9[%get3A_1086, %get3A_1087] {strides = array<i32>} : memref<16x256xf32, #tpu.memory_space<vmem>>, vector<1x16xf32>,
      %get3A_1089 = vector.shape_cast %get3A_1088 : vector<1x16xf32> to vector<16xf32>
      %mul3A_1090 = vector.broadcast %squeeze3A_48 : f32 to vector<16xf32>
      %mul3A_1091 = arith.mulf %mul3A_1090, %get3A_1089 : vector<16xf32>
      %add3A_1092 = arith.addf %add3A_1084, %mul3A_1091 : vector<16xf32>
      %get3A_1093 = arith.constant 4 : i32
      %get3A_1094 = arith.index_cast %get3A_1093 : i32 to index
      %get3A_1095 = arith.constant 240 : index
      %get3A_1096 = tpu.vector_load %arg9[%get3A_1094, %get3A_1095] {strides = array<i32>} : memref<16x256xf32, #tpu.memory_space<vmem>>, vector<1x16xf32>,
      %get3A_1097 = vector.shape_cast %get3A_1096 : vector<1x16xf32> to vector<16xf32>
      %mul3A_1098 = vector.broadcast %squeeze3A_50 : f32 to vector<16xf32>
      %mul3A_1099 = arith.mulf %mul3A_1098, %get3A_1097 : vector<16xf32>
      %add3A_1100 = arith.addf %add3A_1092, %mul3A_1099 : vector<16xf32>
      %get3A_1101 = arith.constant 5 : i32
      %get3A_1102 = arith.index_cast %get3A_1101 : i32 to index
      %get3A_1103 = arith.constant 240 : index
      %get3A_1104 = tpu.vector_load %arg9[%get3A_1102, %get3A_1103] {strides = array<i32>} : memref<16x256xf32, #tpu.memory_space<vmem>>, vector<1x16xf32>,
      %get3A_1105 = vector.shape_cast %get3A_1104 : vector<1x16xf32> to vector<16xf32>
      %mul3A_1106 = vector.broadcast %squeeze3A_52 : f32 to vector<16xf32>
      %mul3A_1107 = arith.mulf %mul3A_1106, %get3A_1105 : vector<16xf32>
      %add3A_1108 = arith.addf %add3A_1100, %mul3A_1107 : vector<16xf32>
      %get3A_1109 = arith.constant 6 : i32
      %get3A_1110 = arith.index_cast %get3A_1109 : i32 to index
      %get3A_1111 = arith.constant 240 : index
      %get3A_1112 = tpu.vector_load %arg9[%get3A_1110, %get3A_1111] {strides = array<i32>} : memref<16x256xf32, #tpu.memory_space<vmem>>, vector<1x16xf32>,
      %get3A_1113 = vector.shape_cast %get3A_1112 : vector<1x16xf32> to vector<16xf32>
      %mul3A_1114 = vector.broadcast %squeeze3A_54 : f32 to vector<16xf32>
      %mul3A_1115 = arith.mulf %mul3A_1114, %get3A_1113 : vector<16xf32>
      %add3A_1116 = arith.addf %add3A_1108, %mul3A_1115 : vector<16xf32>
      %get3A_1117 = arith.constant 7 : i32
      %get3A_1118 = arith.index_cast %get3A_1117 : i32 to index
      %get3A_1119 = arith.constant 240 : index
      %get3A_1120 = tpu.vector_load %arg9[%get3A_1118, %get3A_1119] {strides = array<i32>} : memref<16x256xf32, #tpu.memory_space<vmem>>, vector<1x16xf32>,
      %get3A_1121 = vector.shape_cast %get3A_1120 : vector<1x16xf32> to vector<16xf32>
      %mul3A_1122 = vector.broadcast %squeeze3A_56 : f32 to vector<16xf32>
      %mul3A_1123 = arith.mulf %mul3A_1122, %get3A_1121 : vector<16xf32>
      %add3A_1124 = arith.addf %add3A_1116, %mul3A_1123 : vector<16xf32>
      %swap3A_1125 = arith.constant 240 : index
      %swap3A_1126 = tpu.vector_load %arg11[%swap3A_1125] {strides = array<i32>} : memref<256xf32, #tpu.memory_space<vmem>>, vector<16xf32>,
      %swap3A_1127 = vector.shape_cast %swap3A_1126 : vector<16xf32> to vector<16xf32>
      %swap3A_1128 = vector.shape_cast %add3A_1124 : vector<16xf32> to vector<16xf32>
      tpu.vector_store %arg11[%swap3A_1125], %swap3A_1128 {strides = array<i32>} : memref<256xf32, #tpu.memory_space<vmem>>, vector<16xf32>,
      "tpu.region"() ({
        %run_scoped3A_1129 = tpu.sem_alloc : memref<!tpu.dma_semaphore, #tpu.memory_space<semaphore_mem>>
        %dma_start3A_1130 = arith.constant 0 : i32
        %dma_start3A_1131 = tpu.memref_slice %arg5[%add3A, %dma_start3A_1130] : memref<4x256xf32, #tpu.memory_space<hbm>> -> memref<1x256xf32, #tpu.memory_space<hbm>>
        %dma_start3A_1132 = tpu.memref_squeeze %dma_start3A_1131 : memref<1x256xf32, #tpu.memory_space<hbm>> -> memref<256xf32, #tpu.memory_space<hbm>>
        %dma_start3A_1133 = arith.constant 0 : i32
        %dma_start3A_1134 = tpu.memref_slice %arg5[%add3A, %dma_start3A_1133] : memref<4x256xf32, #tpu.memory_space<hbm>> -> memref<1x256xf32, #tpu.memory_space<hbm>>
        %dma_start3A_1135 = tpu.memref_squeeze %dma_start3A_1134 : memref<1x256xf32, #tpu.memory_space<hbm>> -> memref<256xf32, #tpu.memory_space<hbm>>
        tpu.enqueue_dma source(%arg11 : memref<256xf32, #tpu.memory_space<vmem>>) target(%dma_start3A_1135 : memref<256xf32, #tpu.memory_space<hbm>>) target_semaphore(%run_scoped3A_1129 : memref<!tpu.dma_semaphore, #tpu.memory_space<semaphore_mem>>)
        %dma_wait3A_1136 = arith.constant 0 : i32
        %dma_wait3A_1137 = tpu.memref_slice %arg5[%add3A, %dma_wait3A_1136] : memref<4x256xf32, #tpu.memory_space<hbm>> -> memref<1x256xf32, #tpu.memory_space<hbm>>
        %dma_wait3A_1138 = tpu.memref_squeeze %dma_wait3A_1137 : memref<1x256xf32, #tpu.memory_space<hbm>> -> memref<256xf32, #tpu.memory_space<hbm>>
        %dma_wait3A_1139 = arith.constant 0 : i32
        %dma_wait3A_1140 = tpu.memref_slice %arg5[%add3A, %dma_wait3A_1139] : memref<4x256xf32, #tpu.memory_space<hbm>> -> memref<1x256xf32, #tpu.memory_space<hbm>>
        %dma_wait3A_1141 = tpu.memref_squeeze %dma_wait3A_1140 : memref<1x256xf32, #tpu.memory_space<hbm>> -> memref<256xf32, #tpu.memory_space<hbm>>
        tpu.wait_dma2 semaphore(%run_scoped3A_1129 : memref<!tpu.dma_semaphore, #tpu.memory_space<semaphore_mem>>) src(%arg11 : memref<256xf32, #tpu.memory_space<vmem>>) dst(%dma_wait3A_1141 : memref<256xf32, #tpu.memory_space<hbm>>)
        tpu.yield
      }) : () -> ()
    } else {
    }
    return
  }
}

module attributes {stable_mosaic.version = 14 : i64} {
  func.func @_qs_body(%arg0: i32, %arg1: memref<4x512x1024xf32, #tpu.memory_space<vmem>>, %arg2: memref<1024x64xf32, #tpu.memory_space<vmem>>, %arg3: memref<1x64xf32, #tpu.memory_space<vmem>>, %arg4: memref<8192x64xf32, #tpu.memory_space<vmem>>, %arg5: memref<4x8192xf32, #tpu.memory_space<vmem>>, %arg6: memref<4x1024xf32, #tpu.memory_space<vmem>>, %arg7: memref<8x64xf32, #tpu.memory_space<vmem>>) attributes {dimension_semantics = [#tpu.dimension_semantics<arbitrary>], iteration_bounds = array<i64: 17>, scalar_prefetch = 0 : i64, scratch_operands = 2 : i64, tpu.core_type = #tpu.core_type<tc>, window_params = [{transform_indices = @transform_0, window_bounds = array<i64: 4, 512, 1024>}, {pipeline_mode = #tpu.pipeline_mode<synchronous>, transform_indices = @transform_1, window_bounds = array<i64: 1024, 64>}, {pipeline_mode = #tpu.pipeline_mode<synchronous>, transform_indices = @transform_2, window_bounds = array<i64: 1, 64>}, {transform_indices = @transform_3, window_bounds = array<i64: 8192, 64>}, {transform_indices = @transform_4, window_bounds = array<i64: 4, 8192>}]} {
    %lt3A = arith.constant 4 : i32
    %lt3A_0 = arith.cmpi slt, %arg0, %lt3A : i32
    %convert_element_type3A = arith.extui %lt3A_0 : i1 to i32
    %cond3A = arith.constant 0 : i32
    %cond3A_1 = arith.cmpi ne, %convert_element_type3A, %cond3A : i32
    scf.if %cond3A_1 {
      %get3A = arith.constant 0 : index
      %get3A_6 = arith.constant 0 : index
      %get3A_7 = arith.constant 0 : index
      %get3A_8 = vector.load %arg1[%get3A, %get3A_6, %get3A_7] : memref<4x512x1024xf32, #tpu.memory_space<vmem>>, vector<4x512x1024xf32>
      %reduce_sum3A = arith.constant dense<0.000000e+00> : vector<4x1024xf32>
      %reduce_sum3A_9 = vector.multi_reduction <add>, %get3A_8, %reduce_sum3A [1] : vector<4x512x1024xf32> to vector<4x1024xf32>
      %eq3A = arith.constant 0 : i32
      %eq3A_10 = arith.cmpi eq, %arg0, %eq3A : i32
      %convert_element_type3A_11 = arith.extui %eq3A_10 : i1 to i32
      %cond3A_12 = arith.constant 0 : i32
      %cond3A_13 = arith.cmpi ne, %convert_element_type3A_11, %cond3A_12 : i32
      scf.if %cond3A_13 {
        %swap3A = arith.constant 0 : index
        %swap3A_23 = arith.constant 0 : index
        %swap3A_24 = vector.load %arg6[%swap3A, %swap3A_23] : memref<4x1024xf32, #tpu.memory_space<vmem>>, vector<4x1024xf32>
        tpu.vector_store %arg6[%swap3A, %swap3A_23], %reduce_sum3A_9 {strides = array<i32>} : memref<4x1024xf32, #tpu.memory_space<vmem>>, vector<4x1024xf32>,
      } else {
      }
      %gt3A = arith.constant 0 : i32
      %gt3A_14 = arith.cmpi sgt, %arg0, %gt3A : i32
      %convert_element_type3A_15 = arith.extui %gt3A_14 : i1 to i32
      %cond3A_16 = arith.constant 0 : i32
      %cond3A_17 = arith.cmpi ne, %convert_element_type3A_15, %cond3A_16 : i32
      scf.if %cond3A_17 {
        %get3A_23 = arith.constant 0 : index
        %get3A_24 = arith.constant 0 : index
        %get3A_25 = vector.load %arg6[%get3A_23, %get3A_24] : memref<4x1024xf32, #tpu.memory_space<vmem>>, vector<4x1024xf32>
        %add3A = arith.addf %get3A_25, %reduce_sum3A_9 : vector<4x1024xf32>
        %swap3A = arith.constant 0 : index
        %swap3A_26 = arith.constant 0 : index
        %swap3A_27 = vector.load %arg6[%swap3A, %swap3A_26] : memref<4x1024xf32, #tpu.memory_space<vmem>>, vector<4x1024xf32>
        tpu.vector_store %arg6[%swap3A, %swap3A_26], %add3A {strides = array<i32>} : memref<4x1024xf32, #tpu.memory_space<vmem>>, vector<4x1024xf32>,
      } else {
      }
      %eq3A_18 = arith.constant 3 : i32
      %eq3A_19 = arith.cmpi eq, %arg0, %eq3A_18 : i32
      %convert_element_type3A_20 = arith.extui %eq3A_19 : i1 to i32
      %cond3A_21 = arith.constant 0 : i32
      %cond3A_22 = arith.cmpi ne, %convert_element_type3A_20, %cond3A_21 : i32
      scf.if %cond3A_22 {
        %get3A_23 = arith.constant 0 : index
        %get3A_24 = arith.constant 0 : index
        %get3A_25 = vector.load %arg6[%get3A_23, %get3A_24] : memref<4x1024xf32, #tpu.memory_space<vmem>>, vector<4x1024xf32>
        %mul3A = arith.constant 4.8828125E-4 : f32
        %mul3A_26 = vector.broadcast %mul3A : f32 to vector<4x1024xf32>
        %mul3A_27 = arith.mulf %get3A_25, %mul3A_26 : vector<4x1024xf32>
        %get3A_28 = arith.constant 0 : index
        %get3A_29 = arith.constant 0 : index
        %get3A_30 = vector.load %arg2[%get3A_28, %get3A_29] : memref<1024x64xf32, #tpu.memory_space<vmem>>, vector<1024x64xf32>
        %dot_general3A = arith.constant dense<0.000000e+00> : vector<4x64xf32>
        %dot_general3A_31 = tpu.matmul %mul3A_27, %get3A_30, %dot_general3A {dimension_numbers = #tpu.dot_dimension_numbers<[1], [0], [0], [1], [0, 0, 1, 1], [], []>, transpose_lhs_hint = false} : vector<4x1024xf32>, vector<1024x64xf32>, vector<4x64xf32> -> vector<4x64xf32>
        %get3A_32 = arith.constant 0 : index
        %get3A_33 = arith.constant 0 : index
        %get3A_34 = vector.load %arg3[%get3A_32, %get3A_33] : memref<1x64xf32, #tpu.memory_space<vmem>>, vector<1x64xf32>
        %add3A = vector.broadcast %get3A_34 : vector<1x64xf32> to vector<4x64xf32>
        %add3A_35 = arith.addf %dot_general3A_31, %add3A : vector<4x64xf32>
        %swap3A = arith.constant 0 : index
        %swap3A_36 = arith.constant 0 : index
        %swap3A_37 = vector.load %arg7[%swap3A, %swap3A_36] : memref<8x64xf32, #tpu.memory_space<vmem>>, vector<4x64xf32>
        tpu.vector_store %arg7[%swap3A, %swap3A_36], %add3A_35 {strides = array<i32>} : memref<8x64xf32, #tpu.memory_space<vmem>>, vector<4x64xf32>,
      } else {
      }
    } else {
    }
    %ge3A = arith.constant 4 : i32
    %ge3A_2 = arith.cmpi sge, %arg0, %ge3A : i32
    %convert_element_type3A_3 = arith.extui %ge3A_2 : i1 to i32
    %cond3A_4 = arith.constant 0 : i32
    %cond3A_5 = arith.cmpi ne, %convert_element_type3A_3, %cond3A_4 : i32
    scf.if %cond3A_5 {
      %sub3A = arith.constant 4 : i32
      %sub3A_6 = arith.subi %arg0, %sub3A : i32
      %get3A = arith.constant 0 : index
      %get3A_7 = arith.constant 0 : index
      %get3A_8 = vector.load %arg7[%get3A, %get3A_7] : memref<8x64xf32, #tpu.memory_space<vmem>>, vector<4x64xf32>
      %get3A_9 = arith.constant 0 : index
      %get3A_10 = arith.constant 0 : index
      %get3A_11 = vector.load %arg4[%get3A_9, %get3A_10] : memref<8192x64xf32, #tpu.memory_space<vmem>>, vector<8192x64xf32>
      %dot_general3A = arith.constant dense<0.000000e+00> : vector<4x8192xf32>
      %dot_general3A_12 = tpu.matmul %get3A_8, %get3A_11, %dot_general3A {dimension_numbers = #tpu.dot_dimension_numbers<[1], [1], [0], [0], [0, 0, 1, 0], [], []>, transpose_lhs_hint = false} : vector<4x64xf32>, vector<8192x64xf32>, vector<4x8192xf32> -> vector<4x8192xf32>
      %mul3A = arith.constant 8192 : i32
      %mul3A_13 = arith.muli %sub3A_6, %mul3A : i32
      %iota3A = tpu.iota {dimensions = array<i32: 1>} : vector<4x8192xi32>
      %add3A = vector.broadcast %mul3A_13 : i32 to vector<4x8192xi32>
      %add3A_14 = arith.addi %add3A, %iota3A : vector<4x8192xi32>
      %lt3A_15 = arith.constant 100000 : i32
      %lt3A_16 = vector.broadcast %lt3A_15 : i32 to vector<4x8192xi32>
      %lt3A_17 = arith.cmpi slt, %add3A_14, %lt3A_16 : vector<4x8192xi32>
      %jit3A = arith.constant -1.000000e+30 : f32
      %broadcast_in_dim3A = vector.broadcast %jit3A : f32 to vector<4x8192xf32>
      %select_n3A = arith.select %lt3A_17, %dot_general3A_12, %broadcast_in_dim3A : vector<4x8192xi1>, vector<4x8192xf32>
      %swap3A = arith.constant 0 : index
      %swap3A_18 = arith.constant 0 : index
      %swap3A_19 = vector.load %arg5[%swap3A, %swap3A_18] : memref<4x8192xf32, #tpu.memory_space<vmem>>, vector<4x8192xf32>
      tpu.vector_store %arg5[%swap3A, %swap3A_18], %select_n3A {strides = array<i32>} : memref<4x8192xf32, #tpu.memory_space<vmem>>, vector<4x8192xf32>,
    } else {
    }
    return
  }
  func.func @transform_0(%arg0: i32) -> (i32, i32, i32) {
    %min3A = arith.constant 3 : i32
    %min3A_0 = arith.minsi %arg0, %min3A : i32
    %c0_i32 = arith.constant 0 : i32
    %c0_i32_1 = arith.constant 0 : i32
    %c0_i32_2 = arith.constant 0 : i32
    return %c0_i32, %min3A_0, %c0_i32_1 : i32, i32, i32
  }
  func.func @transform_1(%arg0: i32) -> (i32, i32) {
    %c0_i32 = arith.constant 0 : i32
    %c0_i32_0 = arith.constant 0 : i32
    %c0_i32_1 = arith.constant 0 : i32
    return %c0_i32, %c0_i32_0 : i32, i32
  }
  func.func @transform_2(%arg0: i32) -> (i32, i32) {
    %c0_i32 = arith.constant 0 : i32
    %c0_i32_0 = arith.constant 0 : i32
    %c0_i32_1 = arith.constant 0 : i32
    return %c0_i32, %c0_i32_0 : i32, i32
  }
  func.func @transform_3(%arg0: i32) -> (i32, i32) {
    %sub3A = arith.constant 4 : i32
    %sub3A_0 = arith.subi %arg0, %sub3A : i32
    %max3A = arith.constant 0 : i32
    %max3A_1 = arith.maxsi %sub3A_0, %max3A : i32
    %c0_i32 = arith.constant 0 : i32
    %c0_i32_2 = arith.constant 0 : i32
    return %max3A_1, %c0_i32 : i32, i32
  }
  func.func @transform_4(%arg0: i32) -> (i32, i32) {
    %sub3A = arith.constant 4 : i32
    %sub3A_0 = arith.subi %arg0, %sub3A : i32
    %max3A = arith.constant 0 : i32
    %max3A_1 = arith.maxsi %sub3A_0, %max3A : i32
    %c0_i32 = arith.constant 0 : i32
    %c0_i32_2 = arith.constant 0 : i32
    return %c0_i32, %max3A_1 : i32, i32
  }
}

module attributes {stable_mosaic.version = 14 : i64} {
  func.func @_topk_body(%arg0: i32, %arg1: memref<1x832x128xf32, #tpu.memory_space<vmem>>, %arg2: memref<1x1x128xf32, #tpu.memory_space<vmem>>, %arg3: memref<1x1x128xi32, #tpu.memory_space<vmem>>) attributes {dimension_semantics = [#tpu.dimension_semantics<arbitrary>], iteration_bounds = array<i64: 4>, scalar_prefetch = 0 : i64, scratch_operands = 0 : i64, tpu.core_type = #tpu.core_type<tc>, window_params = [{transform_indices = @transform_0, window_bounds = array<i64: 1, 832, 128>}, {transform_indices = @transform_1, window_bounds = array<i64: 1, 1, 128>}, {transform_indices = @transform_2, window_bounds = array<i64: 1, 1, 128>}]} {
    %get3A = arith.constant 0 : index
    %get3A_0 = arith.constant 0 : index
    %get3A_1 = arith.constant 0 : index
    %get3A_2 = vector.load %arg1[%get3A, %get3A_0, %get3A_1] : memref<1x832x128xf32, #tpu.memory_space<vmem>>, vector<1x832x128xf32>
    %get3A_3 = vector.shape_cast %get3A_2 : vector<1x832x128xf32> to vector<832x128xf32>
    %iota3A = tpu.iota {dimensions = array<i32: 0>} : vector<832x128xi32>
    %mul3A = arith.constant 128 : i32
    %mul3A_4 = vector.broadcast %mul3A : i32 to vector<832x128xi32>
    %mul3A_5 = arith.muli %iota3A, %mul3A_4 : vector<832x128xi32>
    %iota3A_6 = tpu.iota {dimensions = array<i32: 1>} : vector<832x128xi32>
    %add3A = arith.addi %mul3A_5, %iota3A_6 : vector<832x128xi32>
    %iota3A_7 = tpu.iota {dimensions = array<i32: 2>} : vector<1x1x128xi32>
    %broadcast_in_dim3A = arith.constant 0.000000e+00 : f32
    %broadcast_in_dim3A_8 = vector.broadcast %broadcast_in_dim3A : f32 to vector<1x1x128xf32>
    %broadcast_in_dim3A_9 = arith.constant 0 : i32
    %broadcast_in_dim3A_10 = vector.broadcast %broadcast_in_dim3A_9 : i32 to vector<1x1x128xi32>
    %reduce_max3A = vector.shape_cast %get3A_3 : vector<832x128xf32> to vector<1x832x128xf32>
    %reduce_max3A_11 = arith.constant dense<0xFF800000> : vector<1xf32>
    %reduce_max3A_12 = vector.multi_reduction <maximumf>, %reduce_max3A, %reduce_max3A_11 [1, 2] : vector<1x832x128xf32> to vector<1xf32>
    %reduce_max3A_13 = vector.shape_cast %reduce_max3A_12 : vector<1xf32> to vector<1x1x1xf32>
    %reduce_max3A_14 = vector.extract %reduce_max3A_13[0, 0, 0] : f32 from vector<1x1x1xf32>
    %eq3A = vector.broadcast %reduce_max3A_14 : f32 to vector<832x128xf32>
    %eq3A_15 = arith.cmpf oeq, %get3A_3, %eq3A : vector<832x128xf32>
    %jit3A = arith.constant 2147483647 : i32
    %broadcast_in_dim3A_16 = vector.broadcast %jit3A : i32 to vector<832x128xi32>
    %select_n3A = arith.select %eq3A_15, %add3A, %broadcast_in_dim3A_16 : vector<832x128xi1>, vector<832x128xi32>
    %reduce_min3A = vector.shape_cast %select_n3A : vector<832x128xi32> to vector<1x832x128xi32>
    %reduce_min3A_17 = arith.constant dense<2147483647> : vector<1xi32>
    %reduce_min3A_18 = vector.multi_reduction <minsi>, %reduce_min3A, %reduce_min3A_17 [1, 2] : vector<1x832x128xi32> to vector<1xi32>
    %reduce_min3A_19 = vector.shape_cast %reduce_min3A_18 : vector<1xi32> to vector<1x1x1xi32>
    %reduce_min3A_20 = vector.extract %reduce_min3A_19[0, 0, 0] : i32 from vector<1x1x1xi32>
    %eq3A_21 = arith.constant 0 : i32
    %eq3A_22 = vector.broadcast %eq3A_21 : i32 to vector<1x1x128xi32>
    %eq3A_23 = arith.cmpi eq, %iota3A_7, %eq3A_22 : vector<1x1x128xi32>
    %broadcast_in_dim3A_24 = vector.broadcast %reduce_max3A_14 : f32 to vector<1x1x128xf32>
    %select_n3A_25 = arith.select %eq3A_23, %broadcast_in_dim3A_24, %broadcast_in_dim3A_8 : vector<1x1x128xi1>, vector<1x1x128xf32>
    %eq3A_26 = arith.constant 0 : i32
    %eq3A_27 = vector.broadcast %eq3A_26 : i32 to vector<1x1x128xi32>
    %eq3A_28 = arith.cmpi eq, %iota3A_7, %eq3A_27 : vector<1x1x128xi32>
    %broadcast_in_dim3A_29 = vector.broadcast %reduce_min3A_20 : i32 to vector<1x1x128xi32>
    %select_n3A_30 = arith.select %eq3A_28, %broadcast_in_dim3A_29, %broadcast_in_dim3A_10 : vector<1x1x128xi1>, vector<1x1x128xi32>
    %eq3A_31 = vector.broadcast %reduce_min3A_20 : i32 to vector<832x128xi32>
    %eq3A_32 = arith.cmpi eq, %add3A, %eq3A_31 : vector<832x128xi32>
    %jit3A_33 = arith.constant -3.000000e+38 : f32
    %broadcast_in_dim3A_34 = vector.broadcast %jit3A_33 : f32 to vector<832x128xf32>
    %select_n3A_35 = arith.select %eq3A_32, %broadcast_in_dim3A_34, %get3A_3 : vector<832x128xi1>, vector<832x128xf32>
    %reduce_max3A_36 = vector.shape_cast %select_n3A_35 : vector<832x128xf32> to vector<1x832x128xf32>
    %reduce_max3A_37 = arith.constant dense<0xFF800000> : vector<1xf32>
    %reduce_max3A_38 = vector.multi_reduction <maximumf>, %reduce_max3A_36, %reduce_max3A_37 [1, 2] : vector<1x832x128xf32> to vector<1xf32>
    %reduce_max3A_39 = vector.shape_cast %reduce_max3A_38 : vector<1xf32> to vector<1x1x1xf32>
    %reduce_max3A_40 = vector.extract %reduce_max3A_39[0, 0, 0] : f32 from vector<1x1x1xf32>
    %eq3A_41 = vector.broadcast %reduce_max3A_40 : f32 to vector<832x128xf32>
    %eq3A_42 = arith.cmpf oeq, %select_n3A_35, %eq3A_41 : vector<832x128xf32>
    %jit3A_43 = arith.constant 2147483647 : i32
    %broadcast_in_dim3A_44 = vector.broadcast %jit3A_43 : i32 to vector<832x128xi32>
    %select_n3A_45 = arith.select %eq3A_42, %add3A, %broadcast_in_dim3A_44 : vector<832x128xi1>, vector<832x128xi32>
    %reduce_min3A_46 = vector.shape_cast %select_n3A_45 : vector<832x128xi32> to vector<1x832x128xi32>
    %reduce_min3A_47 = arith.constant dense<2147483647> : vector<1xi32>
    %reduce_min3A_48 = vector.multi_reduction <minsi>, %reduce_min3A_46, %reduce_min3A_47 [1, 2] : vector<1x832x128xi32> to vector<1xi32>
    %reduce_min3A_49 = vector.shape_cast %reduce_min3A_48 : vector<1xi32> to vector<1x1x1xi32>
    %reduce_min3A_50 = vector.extract %reduce_min3A_49[0, 0, 0] : i32 from vector<1x1x1xi32>
    %eq3A_51 = arith.constant 1 : i32
    %eq3A_52 = vector.broadcast %eq3A_51 : i32 to vector<1x1x128xi32>
    %eq3A_53 = arith.cmpi eq, %iota3A_7, %eq3A_52 : vector<1x1x128xi32>
    %broadcast_in_dim3A_54 = vector.broadcast %reduce_max3A_40 : f32 to vector<1x1x128xf32>
    %select_n3A_55 = arith.select %eq3A_53, %broadcast_in_dim3A_54, %select_n3A_25 : vector<1x1x128xi1>, vector<1x1x128xf32>
    %eq3A_56 = arith.constant 1 : i32
    %eq3A_57 = vector.broadcast %eq3A_56 : i32 to vector<1x1x128xi32>
    %eq3A_58 = arith.cmpi eq, %iota3A_7, %eq3A_57 : vector<1x1x128xi32>
    %broadcast_in_dim3A_59 = vector.broadcast %reduce_min3A_50 : i32 to vector<1x1x128xi32>
    %select_n3A_60 = arith.select %eq3A_58, %broadcast_in_dim3A_59, %select_n3A_30 : vector<1x1x128xi1>, vector<1x1x128xi32>
    %eq3A_61 = vector.broadcast %reduce_min3A_50 : i32 to vector<832x128xi32>
    %eq3A_62 = arith.cmpi eq, %add3A, %eq3A_61 : vector<832x128xi32>
    %jit3A_63 = arith.constant -3.000000e+38 : f32
    %broadcast_in_dim3A_64 = vector.broadcast %jit3A_63 : f32 to vector<832x128xf32>
    %select_n3A_65 = arith.select %eq3A_62, %broadcast_in_dim3A_64, %select_n3A_35 : vector<832x128xi1>, vector<832x128xf32>
    %reduce_max3A_66 = vector.shape_cast %select_n3A_65 : vector<832x128xf32> to vector<1x832x128xf32>
    %reduce_max3A_67 = arith.constant dense<0xFF800000> : vector<1xf32>
    %reduce_max3A_68 = vector.multi_reduction <maximumf>, %reduce_max3A_66, %reduce_max3A_67 [1, 2] : vector<1x832x128xf32> to vector<1xf32>
    %reduce_max3A_69 = vector.shape_cast %reduce_max3A_68 : vector<1xf32> to vector<1x1x1xf32>
    %reduce_max3A_70 = vector.extract %reduce_max3A_69[0, 0, 0] : f32 from vector<1x1x1xf32>
    %eq3A_71 = vector.broadcast %reduce_max3A_70 : f32 to vector<832x128xf32>
    %eq3A_72 = arith.cmpf oeq, %select_n3A_65, %eq3A_71 : vector<832x128xf32>
    %jit3A_73 = arith.constant 2147483647 : i32
    %broadcast_in_dim3A_74 = vector.broadcast %jit3A_73 : i32 to vector<832x128xi32>
    %select_n3A_75 = arith.select %eq3A_72, %add3A, %broadcast_in_dim3A_74 : vector<832x128xi1>, vector<832x128xi32>
    %reduce_min3A_76 = vector.shape_cast %select_n3A_75 : vector<832x128xi32> to vector<1x832x128xi32>
    %reduce_min3A_77 = arith.constant dense<2147483647> : vector<1xi32>
    %reduce_min3A_78 = vector.multi_reduction <minsi>, %reduce_min3A_76, %reduce_min3A_77 [1, 2] : vector<1x832x128xi32> to vector<1xi32>
    %reduce_min3A_79 = vector.shape_cast %reduce_min3A_78 : vector<1xi32> to vector<1x1x1xi32>
    %reduce_min3A_80 = vector.extract %reduce_min3A_79[0, 0, 0] : i32 from vector<1x1x1xi32>
    %eq3A_81 = arith.constant 2 : i32
    %eq3A_82 = vector.broadcast %eq3A_81 : i32 to vector<1x1x128xi32>
    %eq3A_83 = arith.cmpi eq, %iota3A_7, %eq3A_82 : vector<1x1x128xi32>
    %broadcast_in_dim3A_84 = vector.broadcast %reduce_max3A_70 : f32 to vector<1x1x128xf32>
    %select_n3A_85 = arith.select %eq3A_83, %broadcast_in_dim3A_84, %select_n3A_55 : vector<1x1x128xi1>, vector<1x1x128xf32>
    %eq3A_86 = arith.constant 2 : i32
    %eq3A_87 = vector.broadcast %eq3A_86 : i32 to vector<1x1x128xi32>
    %eq3A_88 = arith.cmpi eq, %iota3A_7, %eq3A_87 : vector<1x1x128xi32>
    %broadcast_in_dim3A_89 = vector.broadcast %reduce_min3A_80 : i32 to vector<1x1x128xi32>
    %select_n3A_90 = arith.select %eq3A_88, %broadcast_in_dim3A_89, %select_n3A_60 : vector<1x1x128xi1>, vector<1x1x128xi32>
    %eq3A_91 = vector.broadcast %reduce_min3A_80 : i32 to vector<832x128xi32>
    %eq3A_92 = arith.cmpi eq, %add3A, %eq3A_91 : vector<832x128xi32>
    %jit3A_93 = arith.constant -3.000000e+38 : f32
    %broadcast_in_dim3A_94 = vector.broadcast %jit3A_93 : f32 to vector<832x128xf32>
    %select_n3A_95 = arith.select %eq3A_92, %broadcast_in_dim3A_94, %select_n3A_65 : vector<832x128xi1>, vector<832x128xf32>
    %reduce_max3A_96 = vector.shape_cast %select_n3A_95 : vector<832x128xf32> to vector<1x832x128xf32>
    %reduce_max3A_97 = arith.constant dense<0xFF800000> : vector<1xf32>
    %reduce_max3A_98 = vector.multi_reduction <maximumf>, %reduce_max3A_96, %reduce_max3A_97 [1, 2] : vector<1x832x128xf32> to vector<1xf32>
    %reduce_max3A_99 = vector.shape_cast %reduce_max3A_98 : vector<1xf32> to vector<1x1x1xf32>
    %reduce_max3A_100 = vector.extract %reduce_max3A_99[0, 0, 0] : f32 from vector<1x1x1xf32>
    %eq3A_101 = vector.broadcast %reduce_max3A_100 : f32 to vector<832x128xf32>
    %eq3A_102 = arith.cmpf oeq, %select_n3A_95, %eq3A_101 : vector<832x128xf32>
    %jit3A_103 = arith.constant 2147483647 : i32
    %broadcast_in_dim3A_104 = vector.broadcast %jit3A_103 : i32 to vector<832x128xi32>
    %select_n3A_105 = arith.select %eq3A_102, %add3A, %broadcast_in_dim3A_104 : vector<832x128xi1>, vector<832x128xi32>
    %reduce_min3A_106 = vector.shape_cast %select_n3A_105 : vector<832x128xi32> to vector<1x832x128xi32>
    %reduce_min3A_107 = arith.constant dense<2147483647> : vector<1xi32>
    %reduce_min3A_108 = vector.multi_reduction <minsi>, %reduce_min3A_106, %reduce_min3A_107 [1, 2] : vector<1x832x128xi32> to vector<1xi32>
    %reduce_min3A_109 = vector.shape_cast %reduce_min3A_108 : vector<1xi32> to vector<1x1x1xi32>
    %reduce_min3A_110 = vector.extract %reduce_min3A_109[0, 0, 0] : i32 from vector<1x1x1xi32>
    %eq3A_111 = arith.constant 3 : i32
    %eq3A_112 = vector.broadcast %eq3A_111 : i32 to vector<1x1x128xi32>
    %eq3A_113 = arith.cmpi eq, %iota3A_7, %eq3A_112 : vector<1x1x128xi32>
    %broadcast_in_dim3A_114 = vector.broadcast %reduce_max3A_100 : f32 to vector<1x1x128xf32>
    %select_n3A_115 = arith.select %eq3A_113, %broadcast_in_dim3A_114, %select_n3A_85 : vector<1x1x128xi1>, vector<1x1x128xf32>
    %eq3A_116 = arith.constant 3 : i32
    %eq3A_117 = vector.broadcast %eq3A_116 : i32 to vector<1x1x128xi32>
    %eq3A_118 = arith.cmpi eq, %iota3A_7, %eq3A_117 : vector<1x1x128xi32>
    %broadcast_in_dim3A_119 = vector.broadcast %reduce_min3A_110 : i32 to vector<1x1x128xi32>
    %select_n3A_120 = arith.select %eq3A_118, %broadcast_in_dim3A_119, %select_n3A_90 : vector<1x1x128xi1>, vector<1x1x128xi32>
    %eq3A_121 = vector.broadcast %reduce_min3A_110 : i32 to vector<832x128xi32>
    %eq3A_122 = arith.cmpi eq, %add3A, %eq3A_121 : vector<832x128xi32>
    %jit3A_123 = arith.constant -3.000000e+38 : f32
    %broadcast_in_dim3A_124 = vector.broadcast %jit3A_123 : f32 to vector<832x128xf32>
    %select_n3A_125 = arith.select %eq3A_122, %broadcast_in_dim3A_124, %select_n3A_95 : vector<832x128xi1>, vector<832x128xf32>
    %reduce_max3A_126 = vector.shape_cast %select_n3A_125 : vector<832x128xf32> to vector<1x832x128xf32>
    %reduce_max3A_127 = arith.constant dense<0xFF800000> : vector<1xf32>
    %reduce_max3A_128 = vector.multi_reduction <maximumf>, %reduce_max3A_126, %reduce_max3A_127 [1, 2] : vector<1x832x128xf32> to vector<1xf32>
    %reduce_max3A_129 = vector.shape_cast %reduce_max3A_128 : vector<1xf32> to vector<1x1x1xf32>
    %reduce_max3A_130 = vector.extract %reduce_max3A_129[0, 0, 0] : f32 from vector<1x1x1xf32>
    %eq3A_131 = vector.broadcast %reduce_max3A_130 : f32 to vector<832x128xf32>
    %eq3A_132 = arith.cmpf oeq, %select_n3A_125, %eq3A_131 : vector<832x128xf32>
    %jit3A_133 = arith.constant 2147483647 : i32
    %broadcast_in_dim3A_134 = vector.broadcast %jit3A_133 : i32 to vector<832x128xi32>
    %select_n3A_135 = arith.select %eq3A_132, %add3A, %broadcast_in_dim3A_134 : vector<832x128xi1>, vector<832x128xi32>
    %reduce_min3A_136 = vector.shape_cast %select_n3A_135 : vector<832x128xi32> to vector<1x832x128xi32>
    %reduce_min3A_137 = arith.constant dense<2147483647> : vector<1xi32>
    %reduce_min3A_138 = vector.multi_reduction <minsi>, %reduce_min3A_136, %reduce_min3A_137 [1, 2] : vector<1x832x128xi32> to vector<1xi32>
    %reduce_min3A_139 = vector.shape_cast %reduce_min3A_138 : vector<1xi32> to vector<1x1x1xi32>
    %reduce_min3A_140 = vector.extract %reduce_min3A_139[0, 0, 0] : i32 from vector<1x1x1xi32>
    %eq3A_141 = arith.constant 4 : i32
    %eq3A_142 = vector.broadcast %eq3A_141 : i32 to vector<1x1x128xi32>
    %eq3A_143 = arith.cmpi eq, %iota3A_7, %eq3A_142 : vector<1x1x128xi32>
    %broadcast_in_dim3A_144 = vector.broadcast %reduce_max3A_130 : f32 to vector<1x1x128xf32>
    %select_n3A_145 = arith.select %eq3A_143, %broadcast_in_dim3A_144, %select_n3A_115 : vector<1x1x128xi1>, vector<1x1x128xf32>
    %eq3A_146 = arith.constant 4 : i32
    %eq3A_147 = vector.broadcast %eq3A_146 : i32 to vector<1x1x128xi32>
    %eq3A_148 = arith.cmpi eq, %iota3A_7, %eq3A_147 : vector<1x1x128xi32>
    %broadcast_in_dim3A_149 = vector.broadcast %reduce_min3A_140 : i32 to vector<1x1x128xi32>
    %select_n3A_150 = arith.select %eq3A_148, %broadcast_in_dim3A_149, %select_n3A_120 : vector<1x1x128xi1>, vector<1x1x128xi32>
    %eq3A_151 = vector.broadcast %reduce_min3A_140 : i32 to vector<832x128xi32>
    %eq3A_152 = arith.cmpi eq, %add3A, %eq3A_151 : vector<832x128xi32>
    %jit3A_153 = arith.constant -3.000000e+38 : f32
    %broadcast_in_dim3A_154 = vector.broadcast %jit3A_153 : f32 to vector<832x128xf32>
    %select_n3A_155 = arith.select %eq3A_152, %broadcast_in_dim3A_154, %select_n3A_125 : vector<832x128xi1>, vector<832x128xf32>
    %reduce_max3A_156 = vector.shape_cast %select_n3A_155 : vector<832x128xf32> to vector<1x832x128xf32>
    %reduce_max3A_157 = arith.constant dense<0xFF800000> : vector<1xf32>
    %reduce_max3A_158 = vector.multi_reduction <maximumf>, %reduce_max3A_156, %reduce_max3A_157 [1, 2] : vector<1x832x128xf32> to vector<1xf32>
    %reduce_max3A_159 = vector.shape_cast %reduce_max3A_158 : vector<1xf32> to vector<1x1x1xf32>
    %reduce_max3A_160 = vector.extract %reduce_max3A_159[0, 0, 0] : f32 from vector<1x1x1xf32>
    %eq3A_161 = vector.broadcast %reduce_max3A_160 : f32 to vector<832x128xf32>
    %eq3A_162 = arith.cmpf oeq, %select_n3A_155, %eq3A_161 : vector<832x128xf32>
    %jit3A_163 = arith.constant 2147483647 : i32
    %broadcast_in_dim3A_164 = vector.broadcast %jit3A_163 : i32 to vector<832x128xi32>
    %select_n3A_165 = arith.select %eq3A_162, %add3A, %broadcast_in_dim3A_164 : vector<832x128xi1>, vector<832x128xi32>
    %reduce_min3A_166 = vector.shape_cast %select_n3A_165 : vector<832x128xi32> to vector<1x832x128xi32>
    %reduce_min3A_167 = arith.constant dense<2147483647> : vector<1xi32>
    %reduce_min3A_168 = vector.multi_reduction <minsi>, %reduce_min3A_166, %reduce_min3A_167 [1, 2] : vector<1x832x128xi32> to vector<1xi32>
    %reduce_min3A_169 = vector.shape_cast %reduce_min3A_168 : vector<1xi32> to vector<1x1x1xi32>
    %reduce_min3A_170 = vector.extract %reduce_min3A_169[0, 0, 0] : i32 from vector<1x1x1xi32>
    %eq3A_171 = arith.constant 5 : i32
    %eq3A_172 = vector.broadcast %eq3A_171 : i32 to vector<1x1x128xi32>
    %eq3A_173 = arith.cmpi eq, %iota3A_7, %eq3A_172 : vector<1x1x128xi32>
    %broadcast_in_dim3A_174 = vector.broadcast %reduce_max3A_160 : f32 to vector<1x1x128xf32>
    %select_n3A_175 = arith.select %eq3A_173, %broadcast_in_dim3A_174, %select_n3A_145 : vector<1x1x128xi1>, vector<1x1x128xf32>
    %eq3A_176 = arith.constant 5 : i32
    %eq3A_177 = vector.broadcast %eq3A_176 : i32 to vector<1x1x128xi32>
    %eq3A_178 = arith.cmpi eq, %iota3A_7, %eq3A_177 : vector<1x1x128xi32>
    %broadcast_in_dim3A_179 = vector.broadcast %reduce_min3A_170 : i32 to vector<1x1x128xi32>
    %select_n3A_180 = arith.select %eq3A_178, %broadcast_in_dim3A_179, %select_n3A_150 : vector<1x1x128xi1>, vector<1x1x128xi32>
    %eq3A_181 = vector.broadcast %reduce_min3A_170 : i32 to vector<832x128xi32>
    %eq3A_182 = arith.cmpi eq, %add3A, %eq3A_181 : vector<832x128xi32>
    %jit3A_183 = arith.constant -3.000000e+38 : f32
    %broadcast_in_dim3A_184 = vector.broadcast %jit3A_183 : f32 to vector<832x128xf32>
    %select_n3A_185 = arith.select %eq3A_182, %broadcast_in_dim3A_184, %select_n3A_155 : vector<832x128xi1>, vector<832x128xf32>
    %reduce_max3A_186 = vector.shape_cast %select_n3A_185 : vector<832x128xf32> to vector<1x832x128xf32>
    %reduce_max3A_187 = arith.constant dense<0xFF800000> : vector<1xf32>
    %reduce_max3A_188 = vector.multi_reduction <maximumf>, %reduce_max3A_186, %reduce_max3A_187 [1, 2] : vector<1x832x128xf32> to vector<1xf32>
    %reduce_max3A_189 = vector.shape_cast %reduce_max3A_188 : vector<1xf32> to vector<1x1x1xf32>
    %reduce_max3A_190 = vector.extract %reduce_max3A_189[0, 0, 0] : f32 from vector<1x1x1xf32>
    %eq3A_191 = vector.broadcast %reduce_max3A_190 : f32 to vector<832x128xf32>
    %eq3A_192 = arith.cmpf oeq, %select_n3A_185, %eq3A_191 : vector<832x128xf32>
    %jit3A_193 = arith.constant 2147483647 : i32
    %broadcast_in_dim3A_194 = vector.broadcast %jit3A_193 : i32 to vector<832x128xi32>
    %select_n3A_195 = arith.select %eq3A_192, %add3A, %broadcast_in_dim3A_194 : vector<832x128xi1>, vector<832x128xi32>
    %reduce_min3A_196 = vector.shape_cast %select_n3A_195 : vector<832x128xi32> to vector<1x832x128xi32>
    %reduce_min3A_197 = arith.constant dense<2147483647> : vector<1xi32>
    %reduce_min3A_198 = vector.multi_reduction <minsi>, %reduce_min3A_196, %reduce_min3A_197 [1, 2] : vector<1x832x128xi32> to vector<1xi32>
    %reduce_min3A_199 = vector.shape_cast %reduce_min3A_198 : vector<1xi32> to vector<1x1x1xi32>
    %reduce_min3A_200 = vector.extract %reduce_min3A_199[0, 0, 0] : i32 from vector<1x1x1xi32>
    %eq3A_201 = arith.constant 6 : i32
    %eq3A_202 = vector.broadcast %eq3A_201 : i32 to vector<1x1x128xi32>
    %eq3A_203 = arith.cmpi eq, %iota3A_7, %eq3A_202 : vector<1x1x128xi32>
    %broadcast_in_dim3A_204 = vector.broadcast %reduce_max3A_190 : f32 to vector<1x1x128xf32>
    %select_n3A_205 = arith.select %eq3A_203, %broadcast_in_dim3A_204, %select_n3A_175 : vector<1x1x128xi1>, vector<1x1x128xf32>
    %eq3A_206 = arith.constant 6 : i32
    %eq3A_207 = vector.broadcast %eq3A_206 : i32 to vector<1x1x128xi32>
    %eq3A_208 = arith.cmpi eq, %iota3A_7, %eq3A_207 : vector<1x1x128xi32>
    %broadcast_in_dim3A_209 = vector.broadcast %reduce_min3A_200 : i32 to vector<1x1x128xi32>
    %select_n3A_210 = arith.select %eq3A_208, %broadcast_in_dim3A_209, %select_n3A_180 : vector<1x1x128xi1>, vector<1x1x128xi32>
    %eq3A_211 = vector.broadcast %reduce_min3A_200 : i32 to vector<832x128xi32>
    %eq3A_212 = arith.cmpi eq, %add3A, %eq3A_211 : vector<832x128xi32>
    %jit3A_213 = arith.constant -3.000000e+38 : f32
    %broadcast_in_dim3A_214 = vector.broadcast %jit3A_213 : f32 to vector<832x128xf32>
    %select_n3A_215 = arith.select %eq3A_212, %broadcast_in_dim3A_214, %select_n3A_185 : vector<832x128xi1>, vector<832x128xf32>
    %reduce_max3A_216 = vector.shape_cast %select_n3A_215 : vector<832x128xf32> to vector<1x832x128xf32>
    %reduce_max3A_217 = arith.constant dense<0xFF800000> : vector<1xf32>
    %reduce_max3A_218 = vector.multi_reduction <maximumf>, %reduce_max3A_216, %reduce_max3A_217 [1, 2] : vector<1x832x128xf32> to vector<1xf32>
    %reduce_max3A_219 = vector.shape_cast %reduce_max3A_218 : vector<1xf32> to vector<1x1x1xf32>
    %reduce_max3A_220 = vector.extract %reduce_max3A_219[0, 0, 0] : f32 from vector<1x1x1xf32>
    %eq3A_221 = vector.broadcast %reduce_max3A_220 : f32 to vector<832x128xf32>
    %eq3A_222 = arith.cmpf oeq, %select_n3A_215, %eq3A_221 : vector<832x128xf32>
    %jit3A_223 = arith.constant 2147483647 : i32
    %broadcast_in_dim3A_224 = vector.broadcast %jit3A_223 : i32 to vector<832x128xi32>
    %select_n3A_225 = arith.select %eq3A_222, %add3A, %broadcast_in_dim3A_224 : vector<832x128xi1>, vector<832x128xi32>
    %reduce_min3A_226 = vector.shape_cast %select_n3A_225 : vector<832x128xi32> to vector<1x832x128xi32>
    %reduce_min3A_227 = arith.constant dense<2147483647> : vector<1xi32>
    %reduce_min3A_228 = vector.multi_reduction <minsi>, %reduce_min3A_226, %reduce_min3A_227 [1, 2] : vector<1x832x128xi32> to vector<1xi32>
    %reduce_min3A_229 = vector.shape_cast %reduce_min3A_228 : vector<1xi32> to vector<1x1x1xi32>
    %reduce_min3A_230 = vector.extract %reduce_min3A_229[0, 0, 0] : i32 from vector<1x1x1xi32>
    %eq3A_231 = arith.constant 7 : i32
    %eq3A_232 = vector.broadcast %eq3A_231 : i32 to vector<1x1x128xi32>
    %eq3A_233 = arith.cmpi eq, %iota3A_7, %eq3A_232 : vector<1x1x128xi32>
    %broadcast_in_dim3A_234 = vector.broadcast %reduce_max3A_220 : f32 to vector<1x1x128xf32>
    %select_n3A_235 = arith.select %eq3A_233, %broadcast_in_dim3A_234, %select_n3A_205 : vector<1x1x128xi1>, vector<1x1x128xf32>
    %eq3A_236 = arith.constant 7 : i32
    %eq3A_237 = vector.broadcast %eq3A_236 : i32 to vector<1x1x128xi32>
    %eq3A_238 = arith.cmpi eq, %iota3A_7, %eq3A_237 : vector<1x1x128xi32>
    %broadcast_in_dim3A_239 = vector.broadcast %reduce_min3A_230 : i32 to vector<1x1x128xi32>
    %select_n3A_240 = arith.select %eq3A_238, %broadcast_in_dim3A_239, %select_n3A_210 : vector<1x1x128xi1>, vector<1x1x128xi32>
    %swap3A = arith.constant 0 : index
    %swap3A_241 = arith.constant 0 : index
    %swap3A_242 = arith.constant 0 : index
    %swap3A_243 = vector.load %arg2[%swap3A, %swap3A_241, %swap3A_242] : memref<1x1x128xf32, #tpu.memory_space<vmem>>, vector<1x1x128xf32>
    tpu.vector_store %arg2[%swap3A, %swap3A_241, %swap3A_242], %select_n3A_235 {strides = array<i32>} : memref<1x1x128xf32, #tpu.memory_space<vmem>>, vector<1x1x128xf32>,
    %swap3A_244 = arith.constant 0 : index
    %swap3A_245 = arith.constant 0 : index
    %swap3A_246 = arith.constant 0 : index
    %swap3A_247 = vector.load %arg3[%swap3A_244, %swap3A_245, %swap3A_246] : memref<1x1x128xi32, #tpu.memory_space<vmem>>, vector<1x1x128xi32>
    tpu.vector_store %arg3[%swap3A_244, %swap3A_245, %swap3A_246], %select_n3A_240 {strides = array<i32>} : memref<1x1x128xi32, #tpu.memory_space<vmem>>, vector<1x1x128xi32>,
    return
  }
  func.func @transform_0(%arg0: i32) -> (i32, i32, i32) {
    %c0_i32 = arith.constant 0 : i32
    %c0_i32_0 = arith.constant 0 : i32
    %c0_i32_1 = arith.constant 0 : i32
    return %arg0, %c0_i32, %c0_i32_0 : i32, i32, i32
  }
  func.func @transform_1(%arg0: i32) -> (i32, i32, i32) {
    %c0_i32 = arith.constant 0 : i32
    %c0_i32_0 = arith.constant 0 : i32
    %c0_i32_1 = arith.constant 0 : i32
    return %arg0, %c0_i32, %c0_i32_0 : i32, i32, i32
  }
  func.func @transform_2(%arg0: i32) -> (i32, i32, i32) {
    %c0_i32 = arith.constant 0 : i32
    %c0_i32_0 = arith.constant 0 : i32
    %c0_i32_1 = arith.constant 0 : i32
    return %arg0, %c0_i32, %c0_i32_0 : i32, i32, i32
  }
}

module attributes {stable_mosaic.version = 14 : i64} {
  func.func @_fused_body(%arg0: i32, %arg1: i32, %arg2: memref<1x256x1024xf32, #tpu.memory_space<vmem>>, %arg3: memref<1024x256xbf16, #tpu.memory_space<vmem>>, %arg4: memref<1x256xf32, #tpu.memory_space<vmem>>, %arg5: memref<1x256xf32, #tpu.memory_space<vmem>>, %arg6: memref<1x1xf32, #tpu.memory_space<vmem>>, %arg7: memref<4x256xf32, #tpu.memory_space<vmem>>, %arg8: memref<256x1024xf32, #tpu.memory_space<vmem>>, %arg9: memref<1x1024xf32, #tpu.memory_space<vmem>>, %arg10: memref<256x128xf32, #tpu.memory_space<vmem>>, %arg11: memref<1x1xf32, #tpu.memory_space<vmem>>, %arg12: memref<1x1024xf32, #tpu.memory_space<vmem>>, %arg13: memref<1x1024xf32, #tpu.memory_space<vmem>>, %arg14: memref<1x256x1024xf32, #tpu.memory_space<vmem>>, %arg15: memref<8x1024xf32, #tpu.memory_space<vmem>>) attributes {dimension_semantics = [#tpu.dimension_semantics<arbitrary>, #tpu.dimension_semantics<arbitrary>], iteration_bounds = array<i64: 4, 8>, scalar_prefetch = 0 : i64, scratch_operands = 1 : i64, tpu.core_type = #tpu.core_type<tc>, window_params = [{transform_indices = @transform_0, window_bounds = array<i64: 1, 256, 1024>}, {pipeline_mode = #tpu.pipeline_mode<synchronous>, transform_indices = @transform_1, window_bounds = array<i64: 1024, 256>}, {pipeline_mode = #tpu.pipeline_mode<synchronous>, transform_indices = @transform_2, window_bounds = array<i64: 1, 256>}, {pipeline_mode = #tpu.pipeline_mode<synchronous>, transform_indices = @transform_3, window_bounds = array<i64: 1, 256>}, {pipeline_mode = #tpu.pipeline_mode<synchronous>, transform_indices = @transform_4, window_bounds = array<i64: 1, 1>}, {pipeline_mode = #tpu.pipeline_mode<synchronous>, transform_indices = @transform_5, window_bounds = array<i64: 4, 256>}, {pipeline_mode = #tpu.pipeline_mode<synchronous>, transform_indices = @transform_6, window_bounds = array<i64: 256, 1024>}, {pipeline_mode = #tpu.pipeline_mode<synchronous>, transform_indices = @transform_7, window_bounds = array<i64: 1, 1024>}, {pipeline_mode = #tpu.pipeline_mode<synchronous>, transform_indices = @transform_8, window_bounds = array<i64: 256, 128>}, {pipeline_mode = #tpu.pipeline_mode<synchronous>, transform_indices = @transform_9, window_bounds = array<i64: 1, 1>}, {pipeline_mode = #tpu.pipeline_mode<synchronous>, transform_indices = @transform_10, window_bounds = array<i64: 1, 1024>}, {pipeline_mode = #tpu.pipeline_mode<synchronous>, transform_indices = @transform_11, window_bounds = array<i64: 1, 1024>}, {transform_indices = @transform_12, window_bounds = array<i64: 1, 256, 1024>}]} {
    %eq3A = arith.constant 0 : i32
    %eq3A_0 = arith.cmpi eq, %arg0, %eq3A : i32
    %eq3A_1 = arith.constant 0 : i32
    %eq3A_2 = arith.cmpi eq, %arg1, %eq3A_1 : i32
    %and3A = arith.andi %eq3A_0, %eq3A_2 : i1
    %convert_element_type3A = arith.extui %and3A : i1 to i32
    %cond3A = arith.constant 0 : i32
    %cond3A_3 = arith.cmpi ne, %convert_element_type3A, %cond3A : i32
    scf.if %cond3A_3 {
      %get3A_95 = arith.constant 0 : index
      %get3A_96 = arith.constant 0 : index
      %get3A_97 = vector.load %arg7[%get3A_95, %get3A_96] : memref<4x256xf32, #tpu.memory_space<vmem>>, vector<4x256xf32>
      %get3A_98 = arith.constant 0 : index
      %get3A_99 = arith.constant 0 : index
      %get3A_100 = vector.load %arg8[%get3A_98, %get3A_99] : memref<256x1024xf32, #tpu.memory_space<vmem>>, vector<256x1024xf32>
      %dot_general3A_101 = arith.constant dense<0.000000e+00> : vector<4x1024xf32>
      %dot_general3A_102 = tpu.matmul %get3A_97, %get3A_100, %dot_general3A_101 {dimension_numbers = #tpu.dot_dimension_numbers<[1], [0], [0], [1], [0, 0, 1, 1], [], []>, transpose_lhs_hint = false} : vector<4x256xf32>, vector<256x1024xf32>, vector<4x1024xf32> -> vector<4x1024xf32>
      %get3A_103 = arith.constant 0 : index
      %get3A_104 = arith.constant 0 : index
      %get3A_105 = vector.load %arg9[%get3A_103, %get3A_104] : memref<1x1024xf32, #tpu.memory_space<vmem>>, vector<1x1024xf32>
      %add3A_106 = vector.broadcast %get3A_105 : vector<1x1024xf32> to vector<4x1024xf32>
      %add3A_107 = arith.addf %dot_general3A_102, %add3A_106 : vector<4x1024xf32>
      %swap3A_108 = arith.constant 0 : index
      %swap3A_109 = arith.constant 0 : index
      %swap3A_110 = vector.load %arg15[%swap3A_108, %swap3A_109] : memref<8x1024xf32, #tpu.memory_space<vmem>>, vector<4x1024xf32>
      tpu.vector_store %arg15[%swap3A_108, %swap3A_109], %add3A_107 {strides = array<i32>} : memref<8x1024xf32, #tpu.memory_space<vmem>>, vector<4x1024xf32>,
    } else {
    }
    %get3A = arith.constant 0 : index
    %get3A_4 = arith.constant 0 : index
    %get3A_5 = arith.constant 0 : index
    %get3A_6 = vector.load %arg2[%get3A, %get3A_4, %get3A_5] : memref<1x256x1024xf32, #tpu.memory_space<vmem>>, vector<1x256x1024xf32>
    %get3A_7 = vector.shape_cast %get3A_6 : vector<1x256x1024xf32> to vector<256x1024xf32>
    %convert_element_type3A_8 = arith.truncf %get3A_7 : vector<256x1024xf32> to vector<256x1024xbf16>
    %get3A_9 = arith.constant 0 : index
    %get3A_10 = arith.constant 0 : index
    %get3A_11 = vector.load %arg3[%get3A_9, %get3A_10] : memref<1024x256xbf16, #tpu.memory_space<vmem>>, vector<1024x256xbf16>
    %dot_general3A = arith.constant dense<0.000000e+00> : vector<256x256xf32>
    %dot_general3A_12 = tpu.matmul %convert_element_type3A_8, %get3A_11, %dot_general3A {dimension_numbers = #tpu.dot_dimension_numbers<[1], [0], [0], [1], [0, 0, 1, 1], [], []>, transpose_lhs_hint = false} : vector<256x1024xbf16>, vector<1024x256xbf16>, vector<256x256xf32> -> vector<256x256xf32>
    %get3A_13 = arith.constant 0 : index
    %get3A_14 = arith.constant 0 : index
    %get3A_15 = vector.load %arg4[%get3A_13, %get3A_14] : memref<1x256xf32, #tpu.memory_space<vmem>>, vector<1x256xf32>
    %add3A = vector.broadcast %get3A_15 : vector<1x256xf32> to vector<256x256xf32>
    %add3A_16 = arith.addf %dot_general3A_12, %add3A : vector<256x256xf32>
    %get3A_17 = arith.constant 0 : index
    %get3A_18 = arith.constant 0 : index
    %get3A_19 = vector.load %arg6[%get3A_17, %get3A_18] : memref<1x1xf32, #tpu.memory_space<vmem>>, vector<1x1xf32>
    %get3A_20 = vector.extract %get3A_19[0, 0] : f32 from vector<1x1xf32>
    %get3A_21 = arith.constant 0 : index
    %get3A_22 = arith.constant 0 : index
    %get3A_23 = vector.load %arg5[%get3A_21, %get3A_22] : memref<1x256xf32, #tpu.memory_space<vmem>>, vector<1x256xf32>
    %mul3A = vector.broadcast %get3A_20 : f32 to vector<1x256xf32>
    %mul3A_24 = arith.mulf %mul3A, %get3A_23 : vector<1x256xf32>
    %add3A_25 = vector.broadcast %mul3A_24 : vector<1x256xf32> to vector<256x256xf32>
    %add3A_26 = arith.addf %add3A_16, %add3A_25 : vector<256x256xf32>
    %mul3A_27 = arith.constant 5.000000e-01 : f32
    %mul3A_28 = vector.broadcast %mul3A_27 : f32 to vector<256x256xf32>
    %mul3A_29 = arith.mulf %mul3A_28, %add3A_26 : vector<256x256xf32>
    %mul3A_30 = arith.constant 0.707106769 : f32
    %mul3A_31 = vector.broadcast %mul3A_30 : f32 to vector<256x256xf32>
    %mul3A_32 = arith.mulf %add3A_26, %mul3A_31 : vector<256x256xf32>
    %erf3A = math.erf %mul3A_32 : vector<256x256xf32>
    %add3A_33 = arith.constant 1.000000e+00 : f32
    %add3A_34 = vector.broadcast %add3A_33 : f32 to vector<256x256xf32>
    %add3A_35 = arith.addf %add3A_34, %erf3A : vector<256x256xf32>
    %mul3A_36 = arith.mulf %mul3A_29, %add3A_35 : vector<256x256xf32>
    %get3A_37 = arith.constant 0 : index
    %get3A_38 = arith.constant 0 : index
    %get3A_39 = vector.load %arg10[%get3A_37, %get3A_38] : memref<256x128xf32, #tpu.memory_space<vmem>>, vector<256x128xf32>
    %dot_general3A_40 = arith.constant dense<0.000000e+00> : vector<256x128xf32>
    %dot_general3A_41 = tpu.matmul %mul3A_36, %get3A_39, %dot_general3A_40 {dimension_numbers = #tpu.dot_dimension_numbers<[1], [0], [0], [1], [0, 0, 1, 1], [], []>, transpose_lhs_hint = false} : vector<256x256xf32>, vector<256x128xf32>, vector<256x128xf32> -> vector<256x128xf32>
    %slice3A = vector.extract_strided_slice %dot_general3A_41 {offsets = [0, 0], sizes = [256, 1], strides = [1, 1]} : vector<256x128xf32> to vector<256x1xf32>
    %get3A_42 = arith.constant 0 : index
    %get3A_43 = arith.constant 0 : index
    %get3A_44 = vector.load %arg11[%get3A_42, %get3A_43] : memref<1x1xf32, #tpu.memory_space<vmem>>, vector<1x1xf32>
    %get3A_45 = vector.extract %get3A_44[0, 0] : f32 from vector<1x1xf32>
    %add3A_46 = vector.broadcast %get3A_45 : f32 to vector<256x1xf32>
    %add3A_47 = arith.addf %slice3A, %add3A_46 : vector<256x1xf32>
    %logistic3A = arith.negf %add3A_47 : vector<256x1xf32>
    %logistic3A_48 = math.exp %logistic3A : vector<256x1xf32>
    %logistic3A_49 = arith.constant 1.000000e+00 : f32
    %logistic3A_50 = vector.broadcast %logistic3A_49 : f32 to vector<256x1xf32>
    %logistic3A_51 = arith.addf %logistic3A_50, %logistic3A_48 : vector<256x1xf32>
    %logistic3A_52 = arith.divf %logistic3A_50, %logistic3A_51 : vector<256x1xf32>
    %sub3A = arith.constant 1.000000e+00 : f32
    %sub3A_53 = vector.broadcast %sub3A : f32 to vector<256x1xf32>
    %sub3A_54 = arith.subf %sub3A_53, %logistic3A_52 : vector<256x1xf32>
    %get3A_55 = arith.index_cast %arg0 : i32 to index
    %get3A_56 = arith.constant 0 : index
    %get3A_57 = vector.load %arg15[%get3A_55, %get3A_56] : memref<8x1024xf32, #tpu.memory_space<vmem>>, vector<1x1024xf32>
    %mul3A_58 = vector.broadcast %sub3A_54 : vector<256x1xf32> to vector<256x1024xf32>
    %mul3A_59 = vector.broadcast %get3A_57 : vector<1x1024xf32> to vector<256x1024xf32>
    %mul3A_60 = arith.mulf %mul3A_58, %mul3A_59 : vector<256x1024xf32>
    %add3A_61 = arith.addf %get3A_7, %mul3A_60 : vector<256x1024xf32>
    %reduce_sum3A = arith.constant dense<0.000000e+00> : vector<256xf32>
    %reduce_sum3A_62 = vector.multi_reduction <add>, %add3A_61, %reduce_sum3A [1] : vector<256x1024xf32> to vector<256xf32>
    %broadcast_in_dim3A = vector.shape_cast %reduce_sum3A_62 : vector<256xf32> to vector<256x1xf32>
    %div3A = arith.constant 1.024000e+03 : f32
    %div3A_63 = vector.broadcast %div3A : f32 to vector<256x1xf32>
    %div3A_64 = arith.divf %broadcast_in_dim3A, %div3A_63 : vector<256x1xf32>
    %sub3A_65 = vector.broadcast %div3A_64 : vector<256x1xf32> to vector<256x1024xf32>
    %sub3A_66 = arith.subf %add3A_61, %sub3A_65 : vector<256x1024xf32>
    %integer_pow3A = arith.mulf %sub3A_66, %sub3A_66 : vector<256x1024xf32>
    %reduce_sum3A_67 = arith.constant dense<0.000000e+00> : vector<256xf32>
    %reduce_sum3A_68 = vector.multi_reduction <add>, %integer_pow3A, %reduce_sum3A_67 [1] : vector<256x1024xf32> to vector<256xf32>
    %broadcast_in_dim3A_69 = vector.shape_cast %reduce_sum3A_68 : vector<256xf32> to vector<256x1xf32>
    %div3A_70 = arith.constant 1.024000e+03 : f32
    %div3A_71 = vector.broadcast %div3A_70 : f32 to vector<256x1xf32>
    %div3A_72 = arith.divf %broadcast_in_dim3A_69, %div3A_71 : vector<256x1xf32>
    %sub3A_73 = vector.broadcast %div3A_64 : vector<256x1xf32> to vector<256x1024xf32>
    %sub3A_74 = arith.subf %add3A_61, %sub3A_73 : vector<256x1024xf32>
    %add3A_75 = arith.constant 9.99999974E-6 : f32
    %add3A_76 = vector.broadcast %add3A_75 : f32 to vector<256x1xf32>
    %add3A_77 = arith.addf %div3A_72, %add3A_76 : vector<256x1xf32>
    %rsqrt3A = math.rsqrt %add3A_77 : vector<256x1xf32>
    %mul3A_78 = vector.broadcast %rsqrt3A : vector<256x1xf32> to vector<256x1024xf32>
    %mul3A_79 = arith.mulf %sub3A_74, %mul3A_78 : vector<256x1024xf32>
    %get3A_80 = arith.constant 0 : index
    %get3A_81 = arith.constant 0 : index
    %get3A_82 = vector.load %arg12[%get3A_80, %get3A_81] : memref<1x1024xf32, #tpu.memory_space<vmem>>, vector<1x1024xf32>
    %mul3A_83 = vector.broadcast %get3A_82 : vector<1x1024xf32> to vector<256x1024xf32>
    %mul3A_84 = arith.mulf %mul3A_79, %mul3A_83 : vector<256x1024xf32>
    %get3A_85 = arith.constant 0 : index
    %get3A_86 = arith.constant 0 : index
    %get3A_87 = vector.load %arg13[%get3A_85, %get3A_86] : memref<1x1024xf32, #tpu.memory_space<vmem>>, vector<1x1024xf32>
    %add3A_88 = vector.broadcast %get3A_87 : vector<1x1024xf32> to vector<256x1024xf32>
    %add3A_89 = arith.addf %mul3A_84, %add3A_88 : vector<256x1024xf32>
    %swap3A = arith.constant 0 : index
    %swap3A_90 = arith.constant 0 : index
    %swap3A_91 = arith.constant 0 : index
    %swap3A_92 = vector.load %arg14[%swap3A, %swap3A_90, %swap3A_91] : memref<1x256x1024xf32, #tpu.memory_space<vmem>>, vector<1x256x1024xf32>
    %swap3A_93 = vector.shape_cast %swap3A_92 : vector<1x256x1024xf32> to vector<256x1024xf32>
    %swap3A_94 = vector.shape_cast %add3A_89 : vector<256x1024xf32> to vector<1x256x1024xf32>
    tpu.vector_store %arg14[%swap3A, %swap3A_90, %swap3A_91], %swap3A_94 {strides = array<i32>} : memref<1x256x1024xf32, #tpu.memory_space<vmem>>, vector<1x256x1024xf32>,
    return
  }
  func.func @transform_0(%arg0: i32, %arg1: i32) -> (i32, i32, i32) {
    %c0_i32 = arith.constant 0 : i32
    %c0_i32_0 = arith.constant 0 : i32
    return %arg0, %arg1, %c0_i32 : i32, i32, i32
  }
  func.func @transform_1(%arg0: i32, %arg1: i32) -> (i32, i32) {
    %c0_i32 = arith.constant 0 : i32
    %c0_i32_0 = arith.constant 0 : i32
    %c0_i32_1 = arith.constant 0 : i32
    return %c0_i32, %c0_i32_0 : i32, i32
  }
  func.func @transform_2(%arg0: i32, %arg1: i32) -> (i32, i32) {
    %c0_i32 = arith.constant 0 : i32
    %c0_i32_0 = arith.constant 0 : i32
    %c0_i32_1 = arith.constant 0 : i32
    return %c0_i32, %c0_i32_0 : i32, i32
  }
  func.func @transform_3(%arg0: i32, %arg1: i32) -> (i32, i32) {
    %c0_i32 = arith.constant 0 : i32
    %c0_i32_0 = arith.constant 0 : i32
    %c0_i32_1 = arith.constant 0 : i32
    return %c0_i32, %c0_i32_0 : i32, i32
  }
  func.func @transform_4(%arg0: i32, %arg1: i32) -> (i32, i32) {
    %c0_i32 = arith.constant 0 : i32
    %c0_i32_0 = arith.constant 0 : i32
    %c0_i32_1 = arith.constant 0 : i32
    return %c0_i32, %c0_i32_0 : i32, i32
  }
  func.func @transform_5(%arg0: i32, %arg1: i32) -> (i32, i32) {
    %c0_i32 = arith.constant 0 : i32
    %c0_i32_0 = arith.constant 0 : i32
    %c0_i32_1 = arith.constant 0 : i32
    return %c0_i32, %c0_i32_0 : i32, i32
  }
  func.func @transform_6(%arg0: i32, %arg1: i32) -> (i32, i32) {
    %c0_i32 = arith.constant 0 : i32
    %c0_i32_0 = arith.constant 0 : i32
    %c0_i32_1 = arith.constant 0 : i32
    return %c0_i32, %c0_i32_0 : i32, i32
  }
  func.func @transform_7(%arg0: i32, %arg1: i32) -> (i32, i32) {
    %c0_i32 = arith.constant 0 : i32
    %c0_i32_0 = arith.constant 0 : i32
    %c0_i32_1 = arith.constant 0 : i32
    return %c0_i32, %c0_i32_0 : i32, i32
  }
  func.func @transform_8(%arg0: i32, %arg1: i32) -> (i32, i32) {
    %c0_i32 = arith.constant 0 : i32
    %c0_i32_0 = arith.constant 0 : i32
    %c0_i32_1 = arith.constant 0 : i32
    return %c0_i32, %c0_i32_0 : i32, i32
  }
  func.func @transform_9(%arg0: i32, %arg1: i32) -> (i32, i32) {
    %c0_i32 = arith.constant 0 : i32
    %c0_i32_0 = arith.constant 0 : i32
    %c0_i32_1 = arith.constant 0 : i32
    return %c0_i32, %c0_i32_0 : i32, i32
  }
  func.func @transform_10(%arg0: i32, %arg1: i32) -> (i32, i32) {
    %c0_i32 = arith.constant 0 : i32
    %c0_i32_0 = arith.constant 0 : i32
    %c0_i32_1 = arith.constant 0 : i32
    return %c0_i32, %c0_i32_0 : i32, i32
  }
  func.func @transform_11(%arg0: i32, %arg1: i32) -> (i32, i32) {
    %c0_i32 = arith.constant 0 : i32
    %c0_i32_0 = arith.constant 0 : i32
    %c0_i32_1 = arith.constant 0 : i32
    return %c0_i32, %c0_i32_0 : i32, i32
  }
  func.func @transform_12(%arg0: i32, %arg1: i32) -> (i32, i32, i32) {
    %c0_i32 = arith.constant 0 : i32
    %c0_i32_0 = arith.constant 0 : i32
    return %arg0, %arg1, %c0_i32 : i32, i32, i32
  }
}

</mosaic_0001>

<sc_bundles>
// kernel: kernel.6.cloned.1.call-start
scs
__scs_entry_jumppad:
0x0: {  	(pc) =	sbr.rel $0x88, $3  }
0x1: {  	(tag) =	ssettag $0x0;
	lr =	simm.s32 $0x1  }
0x2: {  	[smem:$0x3F94] =	sst lr;
	_ =	strace $0xD0000000  }
0x3: {  	_ = 	snop  }
0x4: {  	_ = 	snop  }
0x5: {  	_ = 	snop  }
0x6: {  	_ = 	snop  }
0x7: {  	_ = 	snop  }
__scs_overlays_trampoline_lowered:
0x8: {  	[smem:$0x3FA3] =	sst s0  }
0x9: {  	[smem:$0x3FA4] =	sst s1  }
0xa: {  	[smem:$0x3FA5] =	sst s2  }
0xb: {  	[smem:$0x3FA6] =	sst s3  }
0xc: {  	[smem:$0x3FA7] =	sst s4  }
0xd: {  	[smem:$0x3FA8] =	sst s5  }
0xe: {  	[smem:$0x3FA9] =	sst s6  }
0xf: {  	[smem:$0x3FAA] =	sst s7  }
0x10: {  	[smem:$0x3FAB] =	sst s8  }
0x11: {  	[smem:$0x3FAC] =	sst s9;
	s0 =	simm.s32 @!p0 $0x0  }
0x12: {  	s1 =	sld [smem:$0x3F92];
	s0 =	simm.s32 @p0 $0x1  }
0x13: {  	[smem:$0x3FAD] =	sst s0;
	s0 =	simm.s32 @!p1 $0x0  }
0x14: {  	s2 =	sld [smem:$0x3F91];
	s0 =	simm.s32 @p1 $0x1  }
0x15: {  	[smem:$0x3FAE] =	sst s0;
	s0 =	simm.s32 @!p2 $0x0  }
0x16: {  	s3 =	sld [smem:$0x3FDB];
	s0 =	simm.s32 @p2 $0x1  }
0x17: {  	s4 =	simm.s32 $0x1BF5;
	[smem:$0x3FB0] =	sst s0  }
0x18: {  	s0 =	sld [smem:$0x3F93];
	_ =	swait.ge [sflag:s4], $0x0  }
0x19: {  	s7 =	sld [smem:$0x3F94]  }
0x1a: {  	s8 =	sadd.s32 $0xFFFFE003, lr  }
0x1b: {  	s9 =	sadd.s32 $0xFFFFFEF7, lr;
	s5 =	simm.s32 $0xFFFFFFFF;
	p2 =	slt.u32 s8, $0xFFFFF086  }
0x1c: {  	p1 =	slt.u32 s9, $0xF7A;
	s5 =	simm.s32 @!p2 $0x0  }
0x1d: {  	s5 =	simm.s32 @p1 $0x1;
	p0 =	seq.s32 s7, s2  }
0x1e: {  	s7 =	smul.u32 @!p0 $0xF7A, s2;
	p2 =	seq.s32 @!p0 s5, $0x0  }
0x1f: {  	s9 =	smul.u32 $0xF7A, s1;
	s8 =	simm.s32 @!p0 $0x1BF5;
	p2 =	por !p2, p0  }
0x20: {  	[sflag:s8] =	ssyncset.s32 @!p0 $0xFFFFF086;
	s6 =	sadd.s32 @!p0 s3, s7;
	s7 =	simm.s32 @!p0 $0x108  }
0x21: {  	s3 =	sadd.s32 s3, s9;
	s6 =	sadd.s32 @!p0 $0x88, s6;
	s7 =	simm.s32 @p2 $0x1082  }
0x22: {  	[simem:s7], [sflag:s8] =	dma.local @!p0 [hbm:s6], $0xF7A  }
0x23: {  	s9 =	sor.u32 $0xD0000000, s2;
	s6 =	simm.s32 $0x108;
	_ =	swait.ge @!p0 [sflag:s8], $0x0  }
0x24: {  	s3 =	sadd.s32 $0x88, s3;
	s6 =	simm.s32 @!p1 $0x1082;
	[sflag:s4] =	ssyncset.s32 $0xFFFFF086  }
0x25: {  	[simem:s6], [sflag:s4] =	dma.local [hbm:s3], $0xF7A  }
0x26: {  	[smem:$0x3F94] =	sst s1;
	(tag) =	ssettag s2;
	_ =	strace s9  }
0x27: {  	s1 =	sld [smem:$0x3FA4]  }
0x28: {  	s2 =	sld [smem:$0x3FA5]  }
0x29: {  	s4 =	sld [smem:$0x3FA7]  }
0x2a: {  	p0 =	seq.s32 s5, $0x0;
	s5 =	sld [smem:$0x3FA8]  }
0x2b: {  	s6 =	sld [smem:$0x3FA9]  }
0x2c: {  	s7 =	sld [smem:$0x3FAA]  }
0x2d: {  	s3 =	simm.s32 $0x108;
	s8 =	sld [smem:$0x3FAB]  }
0x2e: {  	s3 =	simm.s32 @!p0 $0x1082;
	s9 =	sld [smem:$0x3FAC]  }
0x2f: {  	lr =	sadd.s32 s0, s3;
	s0 =	sld [smem:$0x3FA3]  }
0x30: {  	s3 =	sld [smem:$0x3FA6]  }
0x31: {  	[smem:$0x3FAF] =	sst s10  }
0x32: {  	s10 =	sld [smem:$0x3FAD];
	_ =	sdelay $0x3  }
0x33: {  	p0 =	seq.s32 s10, $0x1;
	s10 =	sld [smem:$0x3FAF];
	_ =	sdelay $0x3  }
0x34: {  	[smem:$0x3FAF] =	sst s10  }
0x35: {  	s10 =	sld [smem:$0x3FAE];
	_ =	sdelay $0x3  }
0x36: {  	p1 =	seq.s32 s10, $0x1;
	s10 =	sld [smem:$0x3FAF];
	_ =	sdelay $0x3  }
0x37: {  	[smem:$0x3FAF] =	sst s10  }
0x38: {  	s10 =	sld [smem:$0x3FB0]  }
0x39: {  	_ = 	snop;
	(pc) =	sbr.ind lr, $3  }
0x3a: {  	_ = 	snop  }
0x3b: {  	_ = 	snop  }
0x3c: {  	p2 =	seq.s32 s10, $0x1;
	s10 =	sld [smem:$0x3FAF]  }
0x3d: {  	_ =	shalt  }
0x3e: {  	_ =	shalt  }
0x3f: {  	_ =	shalt  }
0x40: {  	_ =	shalt  }
0x41: {  	_ =	shalt  }
0x42: {  	_ =	shalt  }
0x43: {  	_ =	shalt  }
0x44: {  	_ =	shalt  }
0x45: {  	_ =	shalt  }
0x46: {  	_ =	shalt  }
0x47: {  	_ =	shalt  }
0x48: {  	_ =	shalt  }
0x49: {  	_ =	shalt  }
0x4a: {  	_ =	shalt  }
0x4b: {  	_ =	shalt  }
0x4c: {  	_ =	shalt  }
0x4d: {  	_ =	shalt  }
0x4e: {  	_ =	shalt  }
0x4f: {  	_ =	shalt  }
0x50: {  	_ =	shalt  }
0x51: {  	_ =	shalt  }
0x52: {  	_ =	shalt  }
0x53: {  	_ =	shalt  }
0x54: {  	_ =	shalt  }
0x55: {  	_ =	shalt  }
0x56: {  	_ =	shalt  }
0x57: {  	_ =	shalt  }
0x58: {  	_ =	shalt  }
0x59: {  	_ =	shalt  }
0x5a: {  	_ =	shalt  }
0x5b: {  	_ =	shalt  }
0x5c: {  	_ =	shalt  }
0x5d: {  	_ =	shalt  }
0x5e: {  	_ =	shalt  }
0x5f: {  	_ =	shalt  }
0x60: {  	_ =	shalt  }
0x61: {  	_ =	shalt  }
0x62: {  	_ =	shalt  }
0x63: {  	_ =	shalt  }
0x64: {  	_ =	shalt  }
0x65: {  	_ =	shalt  }
0x66: {  	_ =	shalt  }
0x67: {  	_ =	shalt  }
0x68: {  	_ =	shalt  }
0x69: {  	_ =	shalt  }
0x6a: {  	_ =	shalt  }
0x6b: {  	_ =	shalt  }
0x6c: {  	_ =	shalt  }
0x6d: {  	_ =	shalt  }
0x6e: {  	_ =	shalt  }
0x6f: {  	_ =	shalt  }
0x70: {  	_ =	shalt  }
0x71: {  	_ =	shalt  }
0x72: {  	_ =	shalt  }
0x73: {  	_ =	shalt  }
0x74: {  	_ =	shalt  }
0x75: {  	_ =	shalt  }
0x76: {  	_ =	shalt  }
0x77: {  	_ =	shalt  }
0x78: {  	_ =	shalt  }
0x79: {  	_ =	shalt  }
0x7a: {  	_ =	shalt  }
0x7b: {  	_ =	shalt  }
0x7c: {  	_ =	shalt  }
0x7d: {  	_ =	shalt  }
0x7e: {  	_ =	shalt  }
0x7f: {  	_ =	shalt  }
0x80: {  	_ =	shalt  }
0x81: {  	_ =	shalt  }
0x82: {  	_ =	shalt  }
0x83: {  	_ =	shalt  }
0x84: {  	_ =	shalt  }
0x85: {  	_ =	shalt  }
0x86: {  	_ =	shalt  }
0x87: {  	_ =	shalt  }
.Lfunc_end0:
.L_simem_size_0:
called_computation_lowered:
.L_overlay_start_0:
0x88: {  	s2 =	sld [smem:$0x3FD9]  }
0x89: {  	s3 =	sld [smem:$0x3FFE];
	_ =	sdelay $0x1  }
0x8a: {  	s1 =	srdreg.scid  }
0x8b: {  	s0 =	sand.u32 $0x1, s1  }
0x8c: {  	s17 =	sshll.u32 s0, $0xA;
	s2 =	sadd.s32 s3, s2  }
0x8d: {  	s2 =	sadd.s32 s2, s17  }
0x8e: {  	[smem:$0x3FBB] =	sst s2  }
0x8f: {  	_ = 	snop  }
0x90: {  	s2 =	sld [smem:$0x3FC5]  }
0x91: {  	s18 =	sld [smem:$0x3FD0];
	(tm) =	ssettm $0x1  }
0x92: {  	s4 =	sld [smem:$0x3FFB];
	_ =	sdelay $0x3  }
0x93: {  	_ =	strace s4  }
0x94: {  	s4 =	sld [smem:$0x3FFC];
	_ =	sdelay $0x3  }
0x95: {  	_ =	strace s4  }
0x96: {  	s4 =	sld [smem:$0x3FFD];
	_ =	sdelay $0x3  }
0x97: {  	_ =	strace s4  }
0x98: {  	_ =	strace $0x8FFFFFFF  }
0x99: {  	s19 =	sld [smem:$0x3FDB];
	_ =	sdelay $0x1  }
0x9a: {  	s5 =	simm.s32 $_scs_section_size  }
0x9b: {  	s6 =	simm.s32 $_size__tile_overlayer_lowered;
	s7 =	simm.s32 $_tile_overlayer_lowered  }
0x9c: {  	s22 =	simm.s32 $0x1BFF;
	s21 =	sshll.u32 s7, $0x1;
	s4 =	sadd.s32 s5, s19  }
0x9d: {  	s8 =	simm.s32 $0x0;
	s20 =	sshll.u32 s6, $0x1;
	s6 =	sadd.s32 s21, s4  }
0x9e: {  	[timem:s8], [sflag:s22] =	dma.local [hbm:s6], s20  }
0x9f: {  	_ =	swait.ge [sflag:s22], s20  }
0xa0: {  	s5 =	ssub.s32 $0x0, s20;
	[sflag:s22] =	ssyncset.done $0x0  }
0xa1: {  	[sflag:s22] =	ssyncadd.s32 s5;
	_ =	sdelay $0x1  }
0xa2: {  	s23 =	simm.s32 $0x1B8B  }
0xa3: {  	_ =	swait.ge [sflag:s23], $0x1  }
0xa4: {  	[sflag:s23] =	ssyncset.done $0x0  }
0xa5: {  	s25 =	simm.s32 $0x1B8E;
	s24 =	sld [smem:$0x3FFE];
	[sflag:s23] =	ssyncadd.s32 $0xFFFFFFFF  }
0xa6: {  	s26 =	simm.s32 $execute0_lowered;
	[smem:$0x3FD2] =	sst s25  }
0xa7: {  	s6 =	sshll.u32 s26, $0x1;
	_ =	strace $0x80000046;
	[dreg:$0x1] =	wrdreg $0xFFFFFFFF  }
0xa8: {  	s28 =	simm.s32 $_size_execute0_lowered;
	s4 =	sadd.s32 s4, s6;
	[dreg:$0x0] =	wrdreg $0x0  }
0xa9: {  	s6 =	sshll.u32 s28, $0x1;
	[dreg:$0x2] =	wrdreg s4  }
0xaa: {  	[dreg:$0x3] =	wrdreg s6  }
0xab: {  	[dreg:$0x4] =	wrdreg $0xC0  }
0xac: {  	_ =	task [dreg:s8], $0x5FFFF  }
0xad: {  	[dreg:$0x1] =	wrdreg $0xFFFFFFFF  }
0xae: {  	[dreg:$0x0] =	wrdreg $0x60  }
0xaf: {  	[dreg:$0x2] =	wrdreg s24  }
0xb0: {  	[dreg:$0x3] =	wrdreg s2  }
0xb1: {  	[dreg:$0x4] =	wrdreg s18  }
0xb2: {  	[dreg:$0x5] =	wrdreg $0x9  }
0xb3: {  	_ =	task.clear_ibuf [dreg:s8], $0x6FFFF;
	_ =	strace $0x90000046  }
0xb4: {  	s29 =	simm.s32 $0x9;
	_ =	strace $0x80000048  }
0xb5: {  	_ =	swait.ge [sflag:s29], $0x1  }
0xb6: {  	[sflag:s29] =	ssyncadd.s32 $0xFFFFFFFF  }
0xb7: {  	_ =	strace $0x90000048  }
0xb8: {  	_ =	sfence  }
0xb9: {  	s30 =	sld [smem:$0x0];
	_ =	sdelay $0x2  }
0xba: {  	s31 =	sshll.u32 s1, $0xD;
	s1 =	sshrl.u32 s1, $0x2  }
0xbb: {  	s3 =	sand.u32 $0x4000, s31;
	s1 =	sadd.s32 s1, s30  }
0xbc: {  	s0 =	sor.u32 s3, s0;
	s1 =	sshll.u32 s1, $0x11  }
0xbd: {  	s0 =	sor.u32 s1, s0  }
0xbe: {  	s0 =	sadd.s32 $0x8F2B, s0  }
0xbf: {  	[sflag:s0] =	ssyncadd.remote.s32 $0x1  }
0xc0: {  	_ =	sfence.sel $0xFFFF  }
0xc1: {  	[dreg:$0x0] =	wrdreg $0xFFFFFFFF;
	(pc) =	sbr.abs _section_cstart, $3  }
0xc2: {  	[dreg:$0x1] =	wrdreg $0xFFFFFFFF  }
0xc3: {  	_ =	task.clear_ibuf [dreg:s8], $0x2FFFF;
	_ =	strace $0x9FFFFFFF  }
0xc4: {  	(tm) =	ssettm $0x7FFFFFFF  }
0xc5: {  	_ =	shalt  }
tec
execute0_lowered:
.L_overlay_start_1:
0x0: {  	(tag) =	ssettag $0x1  }
0x1: {  	s0 =	srdreg.scid  }
0x2: {  	s5 =	sand.u32 $0x1, s0  }
0x3: {  	s1 =	stileid.u32;
	s7 =	sshll.u32 s5, $0x4  }
0x4: {  	s7 =	sor.u32 s1, s7  }
0x5: {  	p0 =	sgt.u32 s7, $0x3  }
.Ltmp0:
0x6: {  	s4 =	rddreg [dreg:$0x0];
	(pc) =	sbr.rel @p0 .LBB2_3-.Ltmp0, $4  }
0x7: {  	s2 =	rddreg [dreg:$0x1]  }
0x8: {  	s6 =	rddreg [dreg:$0x2];
	s3 =	simm.s32 $0x0  }
0x9: {  	[smem:$0x7FF] =	sst s3  }
0xa: {  	s0 =	rddreg [dreg:$0x3];
	_ =	strace $0x80000047  }
0xb: {  	s7 =	sshll.u32 s1, $0x4  }
0xc: {  	s8 =	sadd.s32 $0x1800, s4;
	s10 =	ssub.s32 $0x2, s5;
	s11 =	simm.s32 $0x1100  }
0xd: {  	s12 =	simm.s32 $0x100;
	s13 =	simm.s32 $0x900;
	s14 =	simm.s32 $0x1  }
0xe: {  	s15 =	simm.s32 $0x200;
	s16 =	simm.s32 $0x1180;
	s9 =	sadd.s32 s7, s4  }
0xf: {  	v2 =	vlaneseq.u32;
	s31 =	sshrl.u32 s10, $0x1;
	s6 =	sadd.s32 s6, s7;
	s7 =	sadd.s32 s8, s7  }
0x10: {  	vm0 =	vmmov $0xff;
	vm1 =	vmmov $0xffff;
	v1 =	vshrl.u32 v2, $0x3;
	s4 =	sadd.s32 $0x1600, s9;
	s5 =	sadd.s32 $0x1A00, s9;
	s9 =	ssub.s32 s10, s31  }
0x11: {  	v0 =	vand.u32 $0x7, v2;
	v2 =	vor.u32 $0x8, v2;
	s10 =	simm.s32 $0x80;
	v1 =	vmul.u32 $0x8, v1;
	s8 =	smax.u32 s9, $0x1;
	s9 =	simm.s32 $0x2  }
.LBB2_2:
0x12: {  	[tilespmem:s3], [sflag:$0x2] =	stream.linear.gather [hbm4b:s7+s3], $0x10, $0x38;
	[tilespmem:$0x1280] =	vst v63  }
0x13: {  	_ =	swait.ge [sflag:s9], $0x10  }
0x14: {  	[sflag:s9] =	ssyncset.done $0x0  }
0x15: {  	[sflag:s9] =	ssyncadd.s32 $0xFFFFFFF0  }
0x16: {  	[tilespmem:s10], [sflag:$0x2] =	stream.linear.gather [hbm4b:s4+s3], $0x10, $0x38;
	[tilespmem:$0x1280] =	vst v63  }
0x17: {  	_ =	swait.ge [sflag:s9], $0x10  }
0x18: {  	[sflag:s9] =	ssyncset.done $0x0  }
0x19: {  	[sflag:s9] =	ssyncadd.s32 $0xFFFFFFF0  }
0x1a: {  	v3 =	vld [tilespmem:$0x0];
	_ =	sdelay $0x4  }
0x1b: {  	v4 =	vbroadcast v3, $0x0;
	_ =	sdelay $0x1  }
0x1c: {  	v3 =	vsub.f32 v3, v4;
	_ =	sdelay $0x1  }
0x1d: {  	v3 =	vmul.f32 $1.442695020e+00, v3;
	_ =	sdelay $0x1  }
0x1e: {  	(erf) = vpow2.f32 v3;
	_ =	sdelay $0x8  }
0x1f: {  	v3 =	vpop (erf)  }
0x20: {  	(v2sf) =	vpush v3, $0x0  }
0x21: {  	(v2sf) =	vpush v3, $0x1;
	_ =	sdelay $0x1  }
0x22: {  	(v2sf) =	vpush v3, $0x2;
	_ =	sdelay $0x1  }
0x23: {  	(v2sf) =	vpush v3, $0x3;
	_ =	sdelay $0x1  }
0x24: {  	(v2sf) =	vpush v3, $0x4;
	_ =	sdelay $0x1  }
0x25: {  	(v2sf) =	vpush v3, $0x5;
	_ =	sdelay $0x1  }
0x26: {  	(v2sf) =	vpush v3, $0x6;
	_ =	sdelay $0x1  }
0x27: {  	(v2sf) =	vpush v3, $0x7;
	_ =	sdelay $0x1  }
0x28: {  	s17 =	spop (v2sf)  }
0x29: {  	s18 =	spop (v2sf)  }
0x2a: {  	s17 =	sadd.f32 s18, s17  }
0x2b: {  	s25 =	spop (v2sf)  }
0x2c: {  	s17 =	sadd.f32 s17, s25  }
0x2d: {  	s26 =	spop (v2sf)  }
0x2e: {  	s17 =	sadd.f32 s17, s26  }
0x2f: {  	s28 =	spop (v2sf)  }
0x30: {  	s17 =	sadd.f32 s17, s28  }
0x31: {  	s29 =	spop (v2sf)  }
0x32: {  	s17 =	sadd.f32 s17, s29  }
0x33: {  	s30 =	spop (v2sf)  }
0x34: {  	s17 =	sadd.f32 s17, s30  }
0x35: {  	s31 =	spop (v2sf)  }
0x36: {  	s17 =	sadd.f32 s17, s31;
	_ =	sdelay $0x1  }
0x37: {  	v61 =	vmov s17  }
0x38: {  	(erf) = vrcp.f32 v61;
	_ =	sdelay $0x8  }
0x39: {  	v3 =	vnsel vm0, $0x0, v3;
	v4 =	vpop (erf)  }
0x3a: {  	v8 =	vmul.f32 v4, v3;
	_ =	sdelay $0x1  }
0x3b: {  	[tilespmem:$0x1100] =	vst v8  }
0x3c: {  	[hbm4b:s5+s3] =	stream.linear.scatter [tilespmem:s11], [sflag:$0x2], $0x80, $0x38;
	[tilespmem:$0x1280] =	vst v63  }
0x3d: {  	_ =	swait.ge [sflag:s9], $0x80  }
0x3e: {  	[sflag:s9] =	ssyncset.done $0x0  }
0x3f: {  	[sflag:s9] =	ssyncadd.s32 $0xFFFFFF80  }
0x40: {  	v3 =	vld [tilespmem:$0x80];
	_ =	sdelay $0x4  }
0x41: {  	v62 =	vshll.u32 v3, $0x1  }
0x42: {  	v3 =	vand.u32 $0x7, v3;
	v4 =	vand.u32 $0xFFFFFFF0, v62  }
0x43: {  	v3 =	vor.u32 v3, v4  }
0x44: {  	v4 =	vperm.xlane v3, v0;
	_ =	sdelay $0x1  }
0x45: {  	v3 =	vperm.xlane v3, v2;
	v4 =	vadd.s32 v1, v4;
	_ =	sdelay $0x1  }
0x46: {  	v3 =	vadd.s32 v1, v3;
	_ =	sdelay $0x2  }
0x47: {  	[tilespmem:s12], [sflag:$0x1] =	stream.indirect_vreg.gather [hbm4b:s2+s3], $0x80, v4, vm1, $0xb8;
	[tilespmem:$0x1280] =	vst v63  }
0x48: {  	_ = 	snop  }
0x49: {  	[tilespmem:s13], [sflag:$0x1] =	stream.indirect_vreg.gather [hbm4b:s2+s3], $0x80, v3, vm1, $0xb8;
	[tilespmem:$0x1280] =	vst v63  }
0x4a: {  	_ =	swait.ge [sflag:s14], $0x1000  }
0x4b: {  	[sflag:s14] =	ssyncset.done $0x0  }
0x4c: {  	[sflag:s14] =	ssyncadd.s32 $0xFFFFF000  }
0x4d: {  	v3 =	vld [tilespmem:$0x100]  }
0x4e: {  	v63 =	vld [tilespmem:$0x180]  }
0x4f: {  	v5 =	vld [tilespmem:$0x200]  }
0x50: {  	v11 =	vld [tilespmem:$0x280]  }
0x51: {  	v12 =	vld [tilespmem:$0x300]  }
0x52: {  	v13 =	vld [tilespmem:$0x380]  }
0x53: {  	v14 =	vld [tilespmem:$0x400]  }
0x54: {  	v21 =	vld [tilespmem:$0x480]  }
0x55: {  	v17 =	vld [tilespmem:$0x110]  }
0x56: {  	v18 =	vld [tilespmem:$0x190]  }
0x57: {  	v19 =	vld [tilespmem:$0x210]  }
0x58: {  	v23 =	vld [tilespmem:$0x290]  }
0x59: {  	v24 =	vld [tilespmem:$0x310]  }
0x5a: {  	v25 =	vld [tilespmem:$0x390]  }
0x5b: {  	v26 =	vld [tilespmem:$0x410]  }
0x5c: {  	v27 =	vld [tilespmem:$0x490]  }
0x5d: {  	v28 =	vld [tilespmem:$0x120]  }
0x5e: {  	v29 =	vld [tilespmem:$0x1A0]  }
0x5f: {  	v30 =	vld [tilespmem:$0x220]  }
0x60: {  	v31 =	vld [tilespmem:$0x2A0]  }
0x61: {  	v32 =	vld [tilespmem:$0x320]  }
0x62: {  	v33 =	vld [tilespmem:$0x3A0]  }
0x63: {  	v34 =	vld [tilespmem:$0x420]  }
0x64: {  	v35 =	vld [tilespmem:$0x4A0]  }
0x65: {  	v36 =	vld [tilespmem:$0x130]  }
0x66: {  	v37 =	vld [tilespmem:$0x1B0]  }
0x67: {  	v38 =	vld [tilespmem:$0x230]  }
0x68: {  	v39 =	vld [tilespmem:$0x2B0]  }
0x69: {  	v40 =	vld [tilespmem:$0x330]  }
0x6a: {  	v41 =	vld [tilespmem:$0x3B0]  }
0x6b: {  	v42 =	vld [tilespmem:$0x430]  }
0x6c: {  	v43 =	vld [tilespmem:$0x4B0]  }
0x6d: {  	v44 =	vld [tilespmem:$0x140]  }
0x6e: {  	v45 =	vld [tilespmem:$0x1C0]  }
0x6f: {  	v46 =	vld [tilespmem:$0x240]  }
0x70: {  	v47 =	vld [tilespmem:$0x2C0]  }
0x71: {  	v48 =	vld [tilespmem:$0x340]  }
0x72: {  	v49 =	vld [tilespmem:$0x3C0]  }
0x73: {  	v50 =	vld [tilespmem:$0x440]  }
0x74: {  	v15 =	vld [tilespmem:$0x4C0]  }
0x75: {  	v51 =	vld [tilespmem:$0x150]  }
0x76: {  	v52 =	vld [tilespmem:$0x1D0]  }
0x77: {  	v53 =	vld [tilespmem:$0x250]  }
0x78: {  	v54 =	vld [tilespmem:$0x2D0]  }
0x79: {  	v55 =	vld [tilespmem:$0x350]  }
0x7a: {  	v56 =	vld [tilespmem:$0x3D0]  }
0x7b: {  	v9 =	vbroadcast v8, $0x0;
	v10 =	vbroadcast v8, $0x1;
	v57 =	vld [tilespmem:$0x450]  }
0x7c: {  	v7 =	vbroadcast v8, $0x2;
	v6 =	vbroadcast v8, $0x3;
	v16 =	vld [tilespmem:$0x4D0]  }
0x7d: {  	v58 =	vld [tilespmem:$0x160];
	v3 =	vmul.f32 v3, v9;
	v4 =	vmul.f32 v63, v10  }
0x7e: {  	v59 =	vld [tilespmem:$0x1E0];
	v17 =	vmul.f32 v17, v9;
	v61 =	vmul.f32 v18, v10  }
0x7f: {  	v60 =	vld [tilespmem:$0x260];
	v23 =	vmul.f32 v23, v6;
	v3 =	vadd.f32 v4, v3;
	v4 =	vmul.f32 v5, v7  }
0x80: {  	v22 =	vld [tilespmem:$0x2E0];
	v51 =	vmul.f32 v51, v9;
	v52 =	vmul.f32 v52, v10  }
0x81: {  	v20 =	vld [tilespmem:$0x360];
	v5 =	vbroadcast v8, $0x4;
	v3 =	vadd.f32 v4, v3;
	v4 =	vmul.f32 v11, v6  }
0x82: {  	v62 =	vld [tilespmem:$0x1F0];
	v51 =	vadd.f32 v52, v51;
	v11 =	vadd.f32 v61, v17;
	v61 =	vmul.f32 v19, v7  }
0x83: {  	v18 =	vld [tilespmem:$0x3E0];
	v12 =	vmul.f32 v12, v5;
	v4 =	vadd.f32 v4, v3;
	v3 =	vbroadcast v8, $0x5  }
0x84: {  	v63 =	vld [tilespmem:$0x2F0];
	v52 =	vmul.f32 v53, v7;
	v53 =	vmul.f32 v47, v6;
	v11 =	vadd.f32 v61, v11  }
0x85: {  	v47 =	vld [tilespmem:$0x890];
	v12 =	vadd.f32 v12, v4;
	v13 =	vmul.f32 v13, v3;
	v4 =	vbroadcast v8, $0x6  }
0x86: {  	v19 =	vld [tilespmem:$0x460];
	v11 =	vadd.f32 v23, v11  }
0x87: {  	v17 =	vld [tilespmem:$0x4E0];
	v23 =	vmul.f32 v24, v5;
	v12 =	vadd.f32 v13, v12;
	v13 =	vmul.f32 v14, v4  }
0x88: {  	v61 =	vld [tilespmem:$0x170];
	v14 =	vmul.f32 v25, v3;
	v25 =	vmul.f32 v26, v4  }
0x89: {  	v24 =	vld [tilespmem:$0x270];
	v11 =	vadd.f32 v23, v11;
	v23 =	vmul.f32 v29, v10;
	v29 =	vmul.f32 v37, v10  }
0x8a: {  	v26 =	vld [tilespmem:$0x370];
	v37 =	vmul.f32 v38, v7;
	v38 =	vmul.f32 v32, v5  }
0x8b: {  	v32 =	vmul.f32 v34, v4;
	v34 =	vmul.f32 v42, v4;
	v42 =	vld [tilespmem:$0x510]  }
0x8c: {  	v8 =	vbroadcast v8, $0x7;
	v12 =	vadd.f32 v13, v12;
	v13 =	vmul.f32 v28, v9;
	v28 =	vld [tilespmem:$0x3F0]  }
0x8d: {  	v11 =	vadd.f32 v14, v11;
	v14 =	vmul.f32 v36, v9;
	v36 =	vld [tilespmem:$0x470]  }
0x8e: {  	v30 =	vmul.f32 v30, v7;
	v21 =	vmul.f32 v21, v8;
	v13 =	vadd.f32 v23, v13;
	v23 =	vld [tilespmem:$0x4F0]  }
0x8f: {  	v11 =	vadd.f32 v25, v11;
	v14 =	vadd.f32 v29, v14;
	v29 =	vld [tilespmem:$0x500];
	v25 =	vmul.f32 v39, v6  }
0x90: {  	v39 =	vmul.f32 v40, v5;
	v40 =	vmul.f32 v33, v3;
	v33 =	vld [tilespmem:$0x780]  }
0x91: {  	v45 =	vmul.f32 v45, v10;
	v12 =	vadd.f32 v21, v12;
	v21 =	vld [tilespmem:$0x880]  }
0x92: {  	v27 =	vmul.f32 v27, v8;
	v13 =	vadd.f32 v30, v13;
	v30 =	vmul.f32 v31, v6;
	v31 =	vld [tilespmem:$0x580]  }
0x93: {  	v46 =	vmul.f32 v46, v7;
	v22 =	vmul.f32 v22, v6;
	v14 =	vadd.f32 v37, v14;
	v37 =	vld [tilespmem:$0x600]  }
0x94: {  	v20 =	vmul.f32 v20, v5;
	v11 =	vadd.f32 v27, v11;
	v27 =	vld [tilespmem:$0x700];
	v13 =	vadd.f32 v30, v13  }
0x95: {  	v63 =	vmul.f32 v63, v6;
	v18 =	vmul.f32 v18, v3;
	v30 =	vld [tilespmem:$0x680];
	v14 =	vadd.f32 v25, v14  }
0x96: {  	v35 =	vmul.f32 v35, v8;
	v25 =	vmul.f32 v41, v3;
	v41 =	vld [tilespmem:$0x610];
	v13 =	vadd.f32 v38, v13  }
0x97: {  	v43 =	vmul.f32 v43, v8;
	v14 =	vadd.f32 v39, v14;
	v38 =	vld [tilespmem:$0x800];
	v39 =	vmul.f32 v44, v9  }
0x98: {  	v15 =	vmul.f32 v15, v8;
	v19 =	vmul.f32 v19, v4;
	v44 =	vld [tilespmem:$0x690];
	v13 =	vadd.f32 v40, v13  }
0x99: {  	v17 =	vmul.f32 v17, v8;
	v14 =	vadd.f32 v25, v14;
	v45 =	vadd.f32 v45, v39;
	v40 =	vld [tilespmem:$0x590]  }
0x9a: {  	v25 =	vadd.f32 v52, v51;
	v51 =	vmul.f32 v54, v6;
	v52 =	vmul.f32 v48, v5;
	v39 =	vld [tilespmem:$0x790]  }
0x9b: {  	v54 =	vmul.f32 v49, v3;
	v48 =	vmul.f32 v57, v4;
	v49 =	vld [tilespmem:$0x520];
	v13 =	vadd.f32 v32, v13  }
0x9c: {  	v57 =	vmul.f32 v59, v10;
	v34 =	vadd.f32 v34, v14;
	v32 =	vadd.f32 v46, v45;
	v46 =	vld [tilespmem:$0x710]  }
0x9d: {  	v25 =	vadd.f32 v51, v25;
	v45 =	vmul.f32 v50, v4;
	v51 =	vld [tilespmem:$0x5A0];
	v14 =	vadd.f32 v35, v13  }
0x9e: {  	v50 =	vld [tilespmem:$0x6A0];
	v32 =	vadd.f32 v53, v32;
	v53 =	vmul.f32 v55, v5;
	v55 =	vmul.f32 v56, v3  }
0x9f: {  	v13 =	vadd.f32 v43, v34;
	v43 =	vld [tilespmem:$0x810];
	v56 =	vmul.f32 v58, v9;
	v58 =	vmul.f32 v61, v9  }
0xa0: {  	v61 =	vmul.f32 v60, v7;
	v60 =	vmul.f32 v31, v10;
	v31 =	vld [tilespmem:$0x6B0]  }
0xa1: {  	v24 =	vmul.f32 v24, v7;
	v59 =	vmul.f32 v62, v10;
	v25 =	vadd.f32 v53, v25;
	v53 =	vld [tilespmem:$0x620]  }
0xa2: {  	v23 =	vmul.f32 v23, v8;
	v35 =	vadd.f32 v57, v56;
	v56 =	vmul.f32 v26, v5;
	v26 =	vld [tilespmem:$0x530]  }
0xa3: {  	v32 =	vadd.f32 v52, v32;
	v34 =	vadd.f32 v59, v58;
	v58 =	vmul.f32 v36, v4;
	v36 =	vld [tilespmem:$0x730]  }
0xa4: {  	v21 =	vmul.f32 v21, v8;
	v59 =	vmul.f32 v29, v9;
	v29 =	vld [tilespmem:$0x7B0]  }
0xa5: {  	v62 =	vmul.f32 v16, v8;
	v41 =	vmul.f32 v41, v7;
	v32 =	vadd.f32 v54, v32;
	v54 =	vld [tilespmem:$0x820]  }
0xa6: {  	v57 =	vmul.f32 v28, v3;
	v25 =	vadd.f32 v55, v25;
	v24 =	vadd.f32 v24, v34;
	v34 =	vld [tilespmem:$0x630]  }
0xa7: {  	v35 =	vadd.f32 v61, v35;
	v61 =	vmul.f32 v42, v9;
	v42 =	vmul.f32 v30, v6;
	v30 =	vld [tilespmem:$0x8B0]  }
0xa8: {  	v52 =	vmul.f32 v44, v6;
	v32 =	vadd.f32 v45, v32;
	v25 =	vadd.f32 v48, v25;
	v48 =	vld [tilespmem:$0x720]  }
0xa9: {  	v44 =	vmul.f32 v51, v10;
	v45 =	vld [tilespmem:$0x7A0];
	v22 =	vadd.f32 v22, v35;
	v24 =	vadd.f32 v63, v24  }
0xaa: {  	v63 =	vadd.f32 v60, v59;
	v35 =	vld [tilespmem:$0x830];
	v59 =	vmul.f32 v33, v3;
	v16 =	vadd.f32 v15, v32  }
0xab: {  	v60 =	vmul.f32 v38, v4;
	v33 =	vld [tilespmem:$0x6C0];
	v15 =	vadd.f32 v62, v25;
	v20 =	vadd.f32 v20, v22  }
0xac: {  	v38 =	vld [tilespmem:$0x6F0];
	v24 =	vadd.f32 v56, v24;
	v62 =	vmul.f32 v40, v10;
	v40 =	vmul.f32 v37, v7  }
0xad: {  	v32 =	vld [tilespmem:$0x8A0];
	v56 =	vmul.f32 v27, v5;
	v51 =	vmul.f32 v34, v7;
	v18 =	vadd.f32 v18, v20  }
0xae: {  	v22 =	vld [tilespmem:$0x5B0];
	v30 =	vmul.f32 v30, v8;
	v24 =	vadd.f32 v57, v24;
	v25 =	vadd.f32 v62, v61  }
0xaf: {  	v37 =	vld [tilespmem:$0x540];
	v61 =	vmul.f32 v39, v3;
	v62 =	vmul.f32 v43, v4;
	v18 =	vadd.f32 v19, v18  }
0xb0: {  	v27 =	vld [tilespmem:$0x640];
	v24 =	vadd.f32 v58, v24;
	v19 =	vadd.f32 v40, v63;
	v58 =	vmul.f32 v46, v5  }
0xb1: {  	v20 =	vld [tilespmem:$0x5C0];
	v25 =	vadd.f32 v41, v25;
	v63 =	vmul.f32 v49, v9;
	v46 =	vmul.f32 v26, v9  }
0xb2: {  	v39 =	vld [tilespmem:$0x740];
	v49 =	vmul.f32 v53, v7;
	v53 =	vmul.f32 v50, v6;
	v17 =	vadd.f32 v17, v18  }
0xb3: {  	v41 =	vld [tilespmem:$0x7C0];
	v22 =	vmul.f32 v22, v10;
	v55 =	vadd.f32 v42, v19;
	v23 =	vadd.f32 v23, v24  }
0xb4: {  	v26 =	vld [tilespmem:$0x840];
	v32 =	vmul.f32 v32, v8;
	v57 =	vadd.f32 v52, v25;
	v19 =	vadd.f32 v44, v63  }
0xb5: {  	v52 =	vld [tilespmem:$0x550];
	v63 =	vmul.f32 v45, v3;
	v45 =	vmul.f32 v54, v4;
	v22 =	vadd.f32 v22, v46  }
0xb6: {  	v54 =	vld [tilespmem:$0x5E0];
	v20 =	vmul.f32 v20, v10;
	v18 =	vadd.f32 v56, v55;
	v24 =	vadd.f32 v58, v57  }
0xb7: {  	v46 =	vld [tilespmem:$0x7D0];
	v19 =	vadd.f32 v49, v19;
	v56 =	vmul.f32 v47, v8;
	v57 =	vmul.f32 v31, v6  }
0xb8: {  	v55 =	vld [tilespmem:$0x5D0];
	v47 =	vmul.f32 v29, v3;
	v49 =	vmul.f32 v37, v9;
	v22 =	vadd.f32 v51, v22  }
0xb9: {  	v58 =	vld [tilespmem:$0x650];
	v42 =	vmul.f32 v41, v3;
	v18 =	vadd.f32 v59, v18;
	v24 =	vadd.f32 v61, v24  }
0xba: {  	v19 =	vadd.f32 v53, v19;
	v59 =	vmul.f32 v48, v5;
	v48 =	vmul.f32 v35, v4;
	v35 =	vld [tilespmem:$0x850]  }
0xbb: {  	v61 =	vmul.f32 v36, v5;
	v20 =	vadd.f32 v20, v49;
	v50 =	vmul.f32 v52, v9;
	v52 =	vld [tilespmem:$0x560]  }
0xbc: {  	v53 =	vmul.f32 v27, v7;
	v22 =	vadd.f32 v57, v22;
	v18 =	vadd.f32 v60, v18;
	v60 =	vld [tilespmem:$0x6D0]  }
0xbd: {  	v57 =	vmul.f32 v33, v6;
	v24 =	vadd.f32 v62, v24;
	v62 =	vld [tilespmem:$0x750];
	v19 =	vadd.f32 v59, v19  }
0xbe: {  	v27 =	vmul.f32 v54, v10;
	v20 =	vadd.f32 v53, v20;
	v59 =	vld [tilespmem:$0x660];
	v22 =	vadd.f32 v61, v22  }
0xbf: {  	v51 =	vmul.f32 v55, v10;
	v55 =	vmul.f32 v58, v7;
	v58 =	vld [tilespmem:$0x5F0];
	v18 =	vadd.f32 v21, v18  }
0xc0: {  	v46 =	vmul.f32 v46, v3;
	v24 =	vadd.f32 v56, v24;
	v19 =	vadd.f32 v63, v19;
	v56 =	vld [tilespmem:$0x570]  }
0xc1: {  	v61 =	vld [tilespmem:$0x670];
	v20 =	vadd.f32 v57, v20;
	v22 =	vadd.f32 v47, v22;
	v36 =	vmul.f32 v52, v9  }
0xc2: {  	v37 =	vld [tilespmem:$0x8D0];
	v25 =	vadd.f32 v51, v50;
	v52 =	vmul.f32 v26, v4;
	v28 =	vmul.f32 v60, v6  }
0xc3: {  	v63 =	vld [tilespmem:$0x6E0];
	v19 =	vadd.f32 v45, v19;
	v60 =	vmul.f32 v39, v5;
	v62 =	vmul.f32 v62, v5  }
0xc4: {  	v40 =	vld [tilespmem:$0x8C0];
	v25 =	vadd.f32 v55, v25;
	v44 =	vmul.f32 v59, v7;
	v55 =	vmul.f32 v35, v4  }
0xc5: {  	v22 =	vadd.f32 v48, v22;
	v39 =	vld [tilespmem:$0x760];
	v10 =	vmul.f32 v58, v10;
	v9 =	vmul.f32 v56, v9  }
0xc6: {  	[tilespmem:$0x1180] =	vst v12;
	v45 =	vld [tilespmem:$0x770];
	v19 =	vadd.f32 v32, v19;
	v21 =	vadd.f32 v27, v36;
	v7 =	vmul.f32 v61, v7  }
0xc7: {  	[tilespmem:$0x1190] =	vst v11;
	v47 =	vld [tilespmem:$0x7E0];
	v61 =	vmul.f32 v37, v8;
	v22 =	vadd.f32 v30, v22;
	v9 =	vadd.f32 v10, v9  }
0xc8: {  	[tilespmem:$0x11A0] =	vst v14;
	v50 =	vld [tilespmem:$0x7F0];
	v25 =	vadd.f32 v28, v25;
	v49 =	vmul.f32 v63, v6;
	v48 =	vadd.f32 v44, v21  }
0xc9: {  	[tilespmem:$0x11B0] =	vst v13;
	v51 =	vld [tilespmem:$0x860];
	v20 =	vadd.f32 v60, v20;
	v6 =	vmul.f32 v38, v6;
	v7 =	vadd.f32 v7, v9  }
0xca: {  	[tilespmem:$0x11C0] =	vst v16;
	v54 =	vld [tilespmem:$0x870];
	v60 =	vmul.f32 v40, v8;
	v14 =	vadd.f32 v49, v48;
	v53 =	vmul.f32 v39, v5  }
0xcb: {  	[tilespmem:$0x11D0] =	vst v15;
	v56 =	vld [tilespmem:$0x8E0];
	v25 =	vadd.f32 v62, v25;
	v5 =	vmul.f32 v45, v5;
	v6 =	vadd.f32 v6, v7  }
0xcc: {  	[tilespmem:$0x11E0] =	vst v17;
	v58 =	vld [tilespmem:$0x8F0];
	v11 =	vmul.f32 v47, v3;
	v12 =	vadd.f32 v42, v20;
	v57 =	vadd.f32 v53, v14  }
0xcd: {  	[tilespmem:$0x11F0] =	vst v23;
	v3 =	vmul.f32 v50, v3;
	v10 =	vadd.f32 v46, v25;
	v5 =	vadd.f32 v5, v6  }
0xce: {  	[tilespmem:$0x1200] =	vst v18;
	v12 =	vadd.f32 v52, v12;
	v9 =	vmul.f32 v51, v4;
	v59 =	vadd.f32 v11, v57  }
0xcf: {  	[tilespmem:$0x1210] =	vst v24;
	v4 =	vmul.f32 v54, v4;
	v7 =	vadd.f32 v55, v10;
	v3 =	vadd.f32 v3, v5  }
0xd0: {  	[tilespmem:$0x1220] =	vst v19;
	v62 =	vmul.f32 v56, v8;
	v10 =	vadd.f32 v60, v12;
	v6 =	vadd.f32 v9, v59  }
0xd1: {  	[tilespmem:$0x1230] =	vst v22;
	v63 =	vmul.f32 v58, v8;
	v5 =	vadd.f32 v61, v7;
	v3 =	vadd.f32 v4, v3  }
0xd2: {  	[tilespmem:$0x1240] =	vst v10;
	v6 =	vadd.f32 v62, v6  }
0xd3: {  	[tilespmem:$0x1250] =	vst v5;
	v3 =	vadd.f32 v63, v3  }
0xd4: {  	p0 =	sne.s32 s8, $0x1;
	[tilespmem:$0x1260] =	vst v6  }
.Ltmp1:
0xd5: {  	[tilespmem:$0x1270] =	vst v3;
	(pc) =	sbr.rel @p0 .LBB2_2-.Ltmp1, $4  }
0xd6: {  	[hbm4b:s6+s10] =	stream.strided.scatter [tilespmem:s16], [sflag:$0x2], $0x100, s15, s10, $0x38;
	[tilespmem:$0x1280] =	vst v63  }
0xd7: {  	_ =	swait.ge [sflag:s9], $0x100  }
0xd8: {  	[sflag:s9] =	ssyncset.done $0x0  }
0xd9: {  	s8 =	sadd.s32 $0xFFFFFFFF, s8;
	[sflag:s9] =	ssyncadd.s32 $0xFFFFFF00  }
.LBB2_3:
0xda: {  	_ =	sfence.sel $0x180000  }
0xdb: {  	[bflag:$0x0] =	sbarrier.arrive $0xFFFF  }
0xdc: {  	p0 =	sne.s32 s1, $0x0;
	_ =	strace $0x90000047  }
0xdd: {  	s0 =	sadd.s32 @!p0 $0x100000, s0;
	[bflag:$0x2] =	sbarrier.arrive $0xFFFF  }
0xde: {  	[sflag:s0] =	ssyncadd.tile.s32 @!p0 $0x1;
	_ =	shalt  }
.Lfunc_end2:
_tile_overlayer_lowered:
.L_overlay_start_2:
0xdf: {  	(tag) =	ssettag $0x2  }
0xe0: {  	s0 =	rddreg [dreg:$0x0];
	s2 =	stileid.u32  }
0xe1: {  	s1 =	rddreg [dreg:$0x1];
	p0 =	sne.s32 s2, $0x0  }
0xe2: {  	s3 =	rddreg [dreg:$0x2];
	[bflag:$0x3] =	sbarrier.arrive $0xFFFF;
	s2 =	simm.s32 @!p0 $0x1C02  }
0xe3: {  	[timem:s3], [sflag:s2] =	dma.local @!p0 [hbm:s0], s1  }
0xe4: {  	s0 =	simm.s32 @!p0 $0x2  }
0xe5: {  	_ =	swait.ge @!p0 [sflag:s0], s1  }
0xe6: {  	s1 =	ssub.s32 @!p0 $0x0, s1;
	[sflag:s0] =	ssyncset.done @!p0 $0x0  }
0xe7: {  	[sflag:s0] =	ssyncadd.s32 @!p0 s1  }
0xe8: {  	[bflag:$0x3] =	sbarrier.arrive $0xFFFF  }
0xe9: {  	_ =	shalt  }

</sc_bundles>
